<compile_context>
chip_gen: v7x
topology: tpu7x:2x2x1
jax: 0.10.2.dev20260603
libtpu: 0.0.44.dev20260713+nightly
codegen_flags: <defaults>
</compile_context>

<pallas_src>
import functools

import jax
import jax.numpy as jnp
from jax import lax
from jax.experimental import pallas as pl
from jax.experimental.pallas import tpu as pltpu
from jax.experimental.pallas import tpu_sc as plsc

_NC, _NS = 2, 16
_NW = _NC * _NS
_CH = 128
_GPO = 10
_OUTER = _CH * _GPO

_EMBED_BLK = 2000
_NODE_BLK = 1000


def _f32dot(a, b):
    return jnp.dot(a, b, preferred_element_type=jnp.float32)


def _embed_body(f_ref, w1, b1, w2, b2, w3, b3, v_ref):
    h = jax.nn.gelu(_f32dot(f_ref[...], w1[...]) + b1[...])
    h = jax.nn.gelu(_f32dot(h, w2[...]) + b2[...])
    v_ref[...] = _f32dot(h, w3[...]) + b3[...]


def _edge_body(g1_ref, g2_ref, v_ref, xp_ref,
               w1a_bd, w1b, kb1, kw2_bd, kb2_4, kw3_bd, kb3_4,
               ws, bs, dw1, db1, dw2, db2, dw3, db3, u_ref):
    b = v_ref.shape[0]
    r4 = g1_ref.shape[0]
    deg = 4 * r4 // b
    p = deg // 4
    a4 = _f32dot(g2_ref[...], w1a_bd[...])
    q = _f32dot(xp_ref[...], w1b[...]) + kb1[...]
    q4 = jnp.concatenate([q, q, q, q], axis=1)
    h4 = jax.nn.gelu(a4.reshape(b, p, 256) + q4.reshape(b, 1, 256)).reshape(r4, 256)
    h4 = jax.nn.gelu(_f32dot(h4, kw2_bd[...]) + kb2_4[...])
    kern4 = _f32dot(h4, kw3_bd[...]) + kb3_4[...]
    mult4 = kern4 * g1_ref[...]
    s1 = mult4.reshape(b, p, 128).sum(axis=1)
    integral = (s1[:, 0:32] + s1[:, 32:64] + s1[:, 64:96] + s1[:, 96:128]) \
        * (1.0 / deg)
    vt = jax.nn.gelu(_f32dot(v_ref[...], ws[...]) + bs[...] + integral)
    hd = jax.nn.gelu(_f32dot(vt, dw1[...]) + db1[...])
    hd = jax.nn.gelu(_f32dot(hd, dw2[...]) + db2[...])
    u_ref[...] = _f32dot(hd, dw3[...]) + db3[...]


def _make_sc_gather(n, e, dv, dx):
    assert e % _OUTER == 0
    nout = e // _OUTER
    nfull = nout // _NW
    rem = nout % _NW
    mesh = plsc.VectorSubcoreMesh(core_axis_name="c", subcore_axis_name="s")

    @functools.partial(
        pl.kernel, mesh=mesh,
        out_type=[jax.ShapeDtypeStruct((e, dv), jnp.float32),
                  jax.ShapeDtypeStruct((e, dx), jnp.float32)],
        scratch_types=[
            pltpu.VMEM((_OUTER,), jnp.int32),
            pltpu.VMEM((_OUTER, dv), jnp.float32),
            pltpu.VMEM((_OUTER, dx), jnp.float32),
            pltpu.SemaphoreType.DMA,
            pltpu.SemaphoreType.DMA,
        ],
        compiler_params=pltpu.CompilerParams(use_tc_tiling_on_sc=False),
    )
    def sc_gather(v_hbm, x_hbm, idx_hbm, g1_hbm, g2_hbm,
                  idx_v, vrows, xrows, sem_v, sem_x):
        c = lax.axis_index("c")
        s = lax.axis_index("s")
        wid = s * _NC + c
        count = nfull + jnp.where(wid < rem, 1, 0)
        start = nfull * wid + jnp.minimum(wid, rem)

        def body(i, carry):
            ch = start + i
            ebase = pl.multiple_of(ch * _OUTER, 128)
            pltpu.sync_copy(idx_hbm.at[pl.ds(ebase, _OUTER)], idx_v)
            copies = []
            for j in range(_GPO):
                sl = pl.ds(j * _CH, _CH)
                copies.append(pltpu.async_copy(
                    v_hbm.at[idx_v.at[sl]], vrows.at[sl], sem_v))
                copies.append(pltpu.async_copy(
                    x_hbm.at[idx_v.at[sl]], xrows.at[sl], sem_x))
            for cp in copies:
                cp.wait()
            pltpu.sync_copy(vrows, g1_hbm.at[pl.ds(ebase, _OUTER)])
            pltpu.sync_copy(xrows, g2_hbm.at[pl.ds(ebase, _OUTER)])
            return carry

        lax.fori_loop(0, count, body, 0)

    return sc_gather


def _whole(shape):
    return pl.BlockSpec(shape, lambda i: (0,) * len(shape))


def kernel(x, F, neighbors_index, neighbors_row_splits,
           embed_params, kernel_params, decoder_params, W_skip, b_skip):
    n, d_in = x.shape
    e = neighbors_index.shape[0]
    deg = e // n
    d_f = F.shape[1]
    (ew1, eb1), (ew2, eb2), (ew3, eb3) = embed_params
    (kw1, kb1), (kw2, kb2), (kw3, kb3) = kernel_params
    (dw1, db1), (dw2, db2), (dw3, db3) = decoder_params
    h = ew1.shape[1]
    d_emb = ew3.shape[1]
    d_out = dw3.shape[1]

    r = _EMBED_BLK
    v = pl.pallas_call(
        _embed_body,
        grid=(n // r,),
        in_specs=[
            pl.BlockSpec((r, d_f), lambda i: (i, 0)),
            _whole(ew1.shape), _whole((1, h)),
            _whole(ew2.shape), _whole((1, h)),
            _whole(ew3.shape), _whole((1, d_emb)),
        ],
        out_specs=pl.BlockSpec((r, d_emb), lambda i: (i, 0)),
        out_shape=jax.ShapeDtypeStruct((n, d_emb), jnp.float32),
        compiler_params=pltpu.CompilerParams(
            dimension_semantics=("parallel",)),
    )(F, ew1, eb1.reshape(1, h), ew2, eb2.reshape(1, h),
      ew3, eb3.reshape(1, d_emb))

    dx = 16
    x_pad = jnp.concatenate(
        [x, jnp.zeros((n, dx - d_in), jnp.float32)], axis=1)
    g1, g2 = _make_sc_gather(n, e, d_emb, dx)(v, x_pad, neighbors_index)

    w1a = jnp.concatenate([kw1[:d_in], jnp.zeros((dx - d_in, h), jnp.float32)])
    w1b = jnp.concatenate([kw1[d_in:], jnp.zeros((dx - d_in, h), jnp.float32)])
    bd = jax.scipy.linalg.block_diag
    w1a_bd = bd(w1a, w1a, w1a, w1a)
    kw2_bd = bd(kw2, kw2, kw2, kw2)
    kw3_bd = bd(kw3, kw3, kw3, kw3)
    kb2_4 = jnp.tile(kb2.reshape(1, h), (1, 4))
    kb3_4 = jnp.tile(kb3.reshape(1, d_emb), (1, 4))
    g1p = g1.reshape(e // 4, 4 * d_emb)
    g2p = g2.reshape(e // 4, 4 * dx)
    b = _NODE_BLK
    eb = b * deg
    u = pl.pallas_call(
        _edge_body,
        grid=(n // b,),
        in_specs=[
            pl.BlockSpec((eb // 4, 4 * d_emb), lambda i: (i, 0)),
            pl.BlockSpec((eb // 4, 4 * dx), lambda i: (i, 0)),
            pl.BlockSpec((b, d_emb), lambda i: (i, 0)),
            pl.BlockSpec((b, dx), lambda i: (i, 0)),
            _whole(w1a_bd.shape), _whole((dx, h)), _whole((1, h)),
            _whole(kw2_bd.shape), _whole((1, 4 * h)),
            _whole(kw3_bd.shape), _whole((1, 4 * d_emb)),
            _whole(W_skip.shape), _whole((1, d_emb)),
            _whole(dw1.shape), _whole((1, h)),
            _whole(dw2.shape), _whole((1, h)),
            _whole(dw3.shape), _whole((1, d_out)),
        ],
        out_specs=pl.BlockSpec((b, d_out), lambda i: (i, 0)),
        out_shape=jax.ShapeDtypeStruct((n, d_out), jnp.float32),
        compiler_params=pltpu.CompilerParams(
            dimension_semantics=("parallel",)),
    )(g1p, g2p, v, x_pad,
      w1a_bd, w1b, kb1.reshape(1, h), kw2_bd, kb2_4,
      kw3_bd, kb3_4,
      W_skip, b_skip.reshape(1, d_emb),
      dw1, db1.reshape(1, h), dw2, db2.reshape(1, h),
      dw3, db3.reshape(1, d_out))
    return u

# --- scband reference (transcript-rebuilt; emitter-appended) ---
"""Pipeline reference for scband-gno-40080634807138 (READ-ONLY COPY).

The authoritative reference and input builder live on the scoring server;
editing this copy changes nothing except your own understanding.
"""

import jax, jax.numpy as jnp
import numpy as np

N = 50000
DEG = 16
E = N * DEG
D_IN = 3
D_F = 16
D_EMB = 32
D_OUT = 1
H = 64
NUM_ITERS = 1


def _linear_init(key, d_in, d_out):
    k1, k2 = jax.random.split(key)
    s = 1.0 / np.sqrt(d_in)
    W = jax.random.uniform(k1, (d_in, d_out), jnp.float32, -s, s)
    b = jax.random.uniform(k2, (d_out,), jnp.float32, -s, s)
    return (W, b)


def _make_mlp(key, d_in, hidden, d_out, n_hidden):
    dims = [d_in] + [hidden] * n_hidden + [d_out]
    keys = jax.random.split(key, len(dims) - 1)
    return [_linear_init(keys[i], dims[i], dims[i + 1]) for i in range(len(dims) - 1)]


def _mlp_apply(params, x):
    for i, (W, b) in enumerate(params):
        x = x @ W + b
        if i < len(params) - 1:
            x = jax.nn.gelu(x)
    return x


def setup_inputs(seed: int = 0):
    key = jax.random.key(seed)
    ks = jax.random.split(key, 8)
    x = jax.random.normal(ks[0], (N, D_IN), dtype=jnp.float32)
    F = jax.random.normal(ks[1], (N, D_F), dtype=jnp.float32)
    neighbors_index = jax.random.randint(ks[2], (E,), 0, N, dtype=jnp.int32)
    neighbors_row_splits = jnp.arange(N + 1, dtype=jnp.int32) * DEG
    embed_params = _make_mlp(ks[3], D_F, H, D_EMB, 2)
    kernel_params = _make_mlp(ks[4], 2 * D_IN, H, D_EMB, 2)
    decoder_params = _make_mlp(ks[5], D_EMB, H, D_OUT, 2)
    W_skip, b_skip = _linear_init(ks[6], D_EMB, D_EMB)
    return {"x": x, "F": F, "neighbors_index": neighbors_index,
            "neighbors_row_splits": neighbors_row_splits,
            "embed_params": embed_params, "kernel_params": kernel_params,
            "decoder_params": decoder_params, "W_skip": W_skip, "b_skip": b_skip}


def reference(x, F, neighbors_index, neighbors_row_splits,
              embed_params, kernel_params, decoder_params, W_skip, b_skip):
    # CRS neighborhood structure
    num_reps = neighbors_row_splits[1:] - neighbors_row_splits[:-1]
    segment_ids = jnp.repeat(jnp.arange(N, dtype=jnp.int32), num_reps,
                             total_repeat_length=E)
    inv_deg = 1.0 / jnp.maximum(num_reps, 1).astype(jnp.float32)

    # v_0 = NN_1(F)
    v = _mlp_apply(embed_params, F)

    for _ in range(NUM_ITERS):
        # kernel_transform, transform_type='linear' (case b):
        # int_{A(x)} k(x, y) * v(y) dy with Monte-Carlo weights 1/|A(x)|
        rep_features = x[neighbors_index]                      # y[neighbors_index], [E, 3]
        self_features = x[segment_ids]                         # repeat_interleave(x, num_reps), [E, 3]
        agg_features = jnp.concatenate([rep_features, self_features], axis=-1)  # [E, 6]
        kern = _mlp_apply(kernel_params, agg_features)         # [E, D_EMB]
        in_features = v[neighbors_index]                       # [E, D_EMB]
        mult = kern * in_features                              # diagonal kernel
        summed = jax.ops.segment_sum(mult, segment_ids, num_segments=N)
        integral = summed * inv_deg[:, None]
        # v_{t+1} = sigma(W v_t + integral)
        v = jax.nn.gelu(v @ W_skip + b_skip + integral)

    # u = NN_2(v_T)
    u = _mlp_apply(decoder_params, v)
    return u

if __name__ == "__main__":
    import jax
    _d = setup_inputs()
    print(jax.jit(kernel)(*tuple(_d.values())))

</pallas_src>

<mosaic_0001>
#map = affine_map<(d0, d1) -> (0, 0)>
#map1 = affine_map<(d0, d1) -> (0)>
module attributes {stable_mosaic.version = 14 : i64} {
  func.func @sc_gather(%arg0: i32, %arg1: i32, %arg2: memref<50000x32xf32, #tpu.memory_space<hbm>>, %arg3: memref<50000x16xf32, #tpu.memory_space<hbm>>, %arg4: memref<800000xi32, #tpu.memory_space<hbm>>, %arg5: memref<800000x32xf32, #tpu.memory_space<hbm>>, %arg6: memref<800000x16xf32, #tpu.memory_space<hbm>>, %arg7: memref<1280xi32, #tpu.memory_space<vmem>>, %arg8: memref<1280x32xf32, #tpu.memory_space<vmem>>, %arg9: memref<1280x16xf32, #tpu.memory_space<vmem>>, %arg10: memref<!tpu.dma_semaphore, #tpu.memory_space<semaphore_mem>>, %arg11: memref<!tpu.dma_semaphore, #tpu.memory_space<semaphore_mem>>) attributes {dimension_semantics = [#tpu.dimension_semantics<core_parallel>, #tpu.dimension_semantics<subcore_parallel>], iteration_bounds = array<i64: 2, 16>, scalar_prefetch = 0 : i64, scratch_operands = 5 : i64, tpu.core_type = #tpu.core_type<sc_vector_subcore>, window_params = [{transform_indices = #map}, {transform_indices = #map}, {transform_indices = #map1}, {transform_indices = #map}, {transform_indices = #map}]} {
    %mul3A = arith.constant 2 : i32
    %mul3A_0 = arith.muli %arg1, %mul3A : i32
    %add3A = arith.addi %mul3A_0, %arg0 : i32
    %lt3A = arith.constant 17 : i32
    %lt3A_1 = arith.cmpi slt, %add3A, %lt3A : i32
    %jit3A = arith.constant 1 : i32
    %jit3A_2 = arith.constant 0 : i32
    %select_n3A = arith.select %lt3A_1, %jit3A, %jit3A_2 : i32
    %add3A_3 = arith.constant 19 : i32
    %add3A_4 = arith.addi %add3A_3, %select_n3A : i32
    %mul3A_5 = arith.constant 19 : i32
    %mul3A_6 = arith.muli %mul3A_5, %add3A : i32
    %min3A = arith.constant 17 : i32
    %min3A_7 = arith.minsi %add3A, %min3A : i32
    %add3A_8 = arith.addi %mul3A_6, %min3A_7 : i32
    %while3A = arith.constant 0 : i32
    %while3A_9 = arith.constant 0 : i32
    %while3A_10 = arith.subi %add3A_4, %while3A_9 : i32
    %while3A_11 = arith.addi %while3A_9, %while3A_10 : i32
    %while3A_12 = arith.constant 1 : i32
    %while3A_13 = arith.divsi %while3A_10, %while3A_12 : i32
    %while3A_14 = arith.muli %while3A_13, %while3A_12 : i32
    %while3A_15 = arith.addi %while3A_9, %while3A_14 : i32
    %while3A_16 = arith.constant 1 : i32
    scf.for %while3A_18 = %while3A_9 to %while3A_15 step %while3A_16  : i32 {
      %add3A_19 = arith.addi %add3A_8, %while3A_18 : i32
      %mul3A_20 = arith.constant 1280 : i32
      %mul3A_21 = arith.muli %add3A_19, %mul3A_20 : i32
      %multiple_of3A = tpu.assume_multiple %mul3A_21, 128 : i32
      "tpu.region"() ({
        %run_scoped3A = tpu.sem_alloc : memref<!tpu.dma_semaphore, #tpu.memory_space<semaphore_mem>>
        %dma_start3A_340 = tpu.memref_slice %arg4[%multiple_of3A] : memref<800000xi32, #tpu.memory_space<hbm>> -> memref<1280xi32, #tpu.memory_space<hbm>>
        %dma_start3A_341 = tpu.memref_slice %arg4[%multiple_of3A] : memref<800000xi32, #tpu.memory_space<hbm>> -> memref<1280xi32, #tpu.memory_space<hbm>>
        tpu.enqueue_dma source(%dma_start3A_341 : memref<1280xi32, #tpu.memory_space<hbm>>) target(%arg7 : memref<1280xi32, #tpu.memory_space<vmem>>) target_semaphore(%run_scoped3A : memref<!tpu.dma_semaphore, #tpu.memory_space<semaphore_mem>>)
        %dma_wait3A_342 = tpu.memref_slice %arg4[%multiple_of3A] : memref<800000xi32, #tpu.memory_space<hbm>> -> memref<1280xi32, #tpu.memory_space<hbm>>
        %dma_wait3A_343 = tpu.memref_slice %arg4[%multiple_of3A] : memref<800000xi32, #tpu.memory_space<hbm>> -> memref<1280xi32, #tpu.memory_space<hbm>>
        tpu.wait_dma2 semaphore(%run_scoped3A : memref<!tpu.dma_semaphore, #tpu.memory_space<semaphore_mem>>) src(%dma_wait3A_343 : memref<1280xi32, #tpu.memory_space<hbm>>) dst(%arg7 : memref<1280xi32, #tpu.memory_space<vmem>>)
        tpu.yield
      }) : () -> ()
      %dma_start3A = arith.constant 0 : i32
      %dma_start3A_22 = arith.constant 0 : i32
      %dma_start3A_23 = tpu.memref_slice %arg8[%dma_start3A, %dma_start3A_22] : memref<1280x32xf32, #tpu.memory_space<vmem>> -> memref<128x32xf32, #tpu.memory_space<vmem>>
      %dma_start3A_24 = arith.constant 0 : i32
      %dma_start3A_25 = tpu.memref_slice %arg7[%dma_start3A_24] : memref<1280xi32, #tpu.memory_space<vmem>> -> memref<128xi32, #tpu.memory_space<vmem>>
      %dma_start3A_26 = arith.constant 0 : i32
      %dma_start3A_27 = arith.constant 0 : i32
      %dma_start3A_28 = tpu.memref_slice %arg2[%dma_start3A_26, %dma_start3A_27] : memref<50000x32xf32, #tpu.memory_space<hbm>> -> memref<50000x32xf32, #tpu.memory_space<hbm>>
      tpu.enqueue_indirect_dma source(%dma_start3A_28 : memref<50000x32xf32, #tpu.memory_space<hbm>>) target(%dma_start3A_23 : memref<128x32xf32, #tpu.memory_space<vmem>>) offsets(%dma_start3A_25 : memref<128xi32, #tpu.memory_space<vmem>>) semaphore(%arg10 : memref<!tpu.dma_semaphore, #tpu.memory_space<semaphore_mem>>)
      %dma_start3A_29 = arith.constant 0 : i32
      %dma_start3A_30 = arith.constant 0 : i32
      %dma_start3A_31 = tpu.memref_slice %arg9[%dma_start3A_29, %dma_start3A_30] : memref<1280x16xf32, #tpu.memory_space<vmem>> -> memref<128x16xf32, #tpu.memory_space<vmem>>
      %dma_start3A_32 = arith.constant 0 : i32
      %dma_start3A_33 = tpu.memref_slice %arg7[%dma_start3A_32] : memref<1280xi32, #tpu.memory_space<vmem>> -> memref<128xi32, #tpu.memory_space<vmem>>
      %dma_start3A_34 = arith.constant 0 : i32
      %dma_start3A_35 = arith.constant 0 : i32
      %dma_start3A_36 = tpu.memref_slice %arg3[%dma_start3A_34, %dma_start3A_35] : memref<50000x16xf32, #tpu.memory_space<hbm>> -> memref<50000x16xf32, #tpu.memory_space<hbm>>
      tpu.enqueue_indirect_dma source(%dma_start3A_36 : memref<50000x16xf32, #tpu.memory_space<hbm>>) target(%dma_start3A_31 : memref<128x16xf32, #tpu.memory_space<vmem>>) offsets(%dma_start3A_33 : memref<128xi32, #tpu.memory_space<vmem>>) semaphore(%arg11 : memref<!tpu.dma_semaphore, #tpu.memory_space<semaphore_mem>>)
      %dma_start3A_37 = arith.constant 128 : i32
      %dma_start3A_38 = arith.constant 0 : i32
      %dma_start3A_39 = tpu.memref_slice %arg8[%dma_start3A_37, %dma_start3A_38] : memref<1280x32xf32, #tpu.memory_space<vmem>> -> memref<128x32xf32, #tpu.memory_space<vmem>>
      %dma_start3A_40 = arith.constant 128 : i32
      %dma_start3A_41 = tpu.memref_slice %arg7[%dma_start3A_40] : memref<1280xi32, #tpu.memory_space<vmem>> -> memref<128xi32, #tpu.memory_space<vmem>>
      %dma_start3A_42 = arith.constant 0 : i32
      %dma_start3A_43 = arith.constant 0 : i32
      %dma_start3A_44 = tpu.memref_slice %arg2[%dma_start3A_42, %dma_start3A_43] : memref<50000x32xf32, #tpu.memory_space<hbm>> -> memref<50000x32xf32, #tpu.memory_space<hbm>>
      tpu.enqueue_indirect_dma source(%dma_start3A_44 : memref<50000x32xf32, #tpu.memory_space<hbm>>) target(%dma_start3A_39 : memref<128x32xf32, #tpu.memory_space<vmem>>) offsets(%dma_start3A_41 : memref<128xi32, #tpu.memory_space<vmem>>) semaphore(%arg10 : memref<!tpu.dma_semaphore, #tpu.memory_space<semaphore_mem>>)
      %dma_start3A_45 = arith.constant 128 : i32
      %dma_start3A_46 = arith.constant 0 : i32
      %dma_start3A_47 = tpu.memref_slice %arg9[%dma_start3A_45, %dma_start3A_46] : memref<1280x16xf32, #tpu.memory_space<vmem>> -> memref<128x16xf32, #tpu.memory_space<vmem>>
      %dma_start3A_48 = arith.constant 128 : i32
      %dma_start3A_49 = tpu.memref_slice %arg7[%dma_start3A_48] : memref<1280xi32, #tpu.memory_space<vmem>> -> memref<128xi32, #tpu.memory_space<vmem>>
      %dma_start3A_50 = arith.constant 0 : i32
      %dma_start3A_51 = arith.constant 0 : i32
      %dma_start3A_52 = tpu.memref_slice %arg3[%dma_start3A_50, %dma_start3A_51] : memref<50000x16xf32, #tpu.memory_space<hbm>> -> memref<50000x16xf32, #tpu.memory_space<hbm>>
      tpu.enqueue_indirect_dma source(%dma_start3A_52 : memref<50000x16xf32, #tpu.memory_space<hbm>>) target(%dma_start3A_47 : memref<128x16xf32, #tpu.memory_space<vmem>>) offsets(%dma_start3A_49 : memref<128xi32, #tpu.memory_space<vmem>>) semaphore(%arg11 : memref<!tpu.dma_semaphore, #tpu.memory_space<semaphore_mem>>)
      %dma_start3A_53 = arith.constant 256 : i32
      %dma_start3A_54 = arith.constant 0 : i32
      %dma_start3A_55 = tpu.memref_slice %arg8[%dma_start3A_53, %dma_start3A_54] : memref<1280x32xf32, #tpu.memory_space<vmem>> -> memref<128x32xf32, #tpu.memory_space<vmem>>
      %dma_start3A_56 = arith.constant 256 : i32
      %dma_start3A_57 = tpu.memref_slice %arg7[%dma_start3A_56] : memref<1280xi32, #tpu.memory_space<vmem>> -> memref<128xi32, #tpu.memory_space<vmem>>
      %dma_start3A_58 = arith.constant 0 : i32
      %dma_start3A_59 = arith.constant 0 : i32
      %dma_start3A_60 = tpu.memref_slice %arg2[%dma_start3A_58, %dma_start3A_59] : memref<50000x32xf32, #tpu.memory_space<hbm>> -> memref<50000x32xf32, #tpu.memory_space<hbm>>
      tpu.enqueue_indirect_dma source(%dma_start3A_60 : memref<50000x32xf32, #tpu.memory_space<hbm>>) target(%dma_start3A_55 : memref<128x32xf32, #tpu.memory_space<vmem>>) offsets(%dma_start3A_57 : memref<128xi32, #tpu.memory_space<vmem>>) semaphore(%arg10 : memref<!tpu.dma_semaphore, #tpu.memory_space<semaphore_mem>>)
      %dma_start3A_61 = arith.constant 256 : i32
      %dma_start3A_62 = arith.constant 0 : i32
      %dma_start3A_63 = tpu.memref_slice %arg9[%dma_start3A_61, %dma_start3A_62] : memref<1280x16xf32, #tpu.memory_space<vmem>> -> memref<128x16xf32, #tpu.memory_space<vmem>>
      %dma_start3A_64 = arith.constant 256 : i32
      %dma_start3A_65 = tpu.memref_slice %arg7[%dma_start3A_64] : memref<1280xi32, #tpu.memory_space<vmem>> -> memref<128xi32, #tpu.memory_space<vmem>>
      %dma_start3A_66 = arith.constant 0 : i32
      %dma_start3A_67 = arith.constant 0 : i32
      %dma_start3A_68 = tpu.memref_slice %arg3[%dma_start3A_66, %dma_start3A_67] : memref<50000x16xf32, #tpu.memory_space<hbm>> -> memref<50000x16xf32, #tpu.memory_space<hbm>>
      tpu.enqueue_indirect_dma source(%dma_start3A_68 : memref<50000x16xf32, #tpu.memory_space<hbm>>) target(%dma_start3A_63 : memref<128x16xf32, #tpu.memory_space<vmem>>) offsets(%dma_start3A_65 : memref<128xi32, #tpu.memory_space<vmem>>) semaphore(%arg11 : memref<!tpu.dma_semaphore, #tpu.memory_space<semaphore_mem>>)
      %dma_start3A_69 = arith.constant 384 : i32
      %dma_start3A_70 = arith.constant 0 : i32
      %dma_start3A_71 = tpu.memref_slice %arg8[%dma_start3A_69, %dma_start3A_70] : memref<1280x32xf32, #tpu.memory_space<vmem>> -> memref<128x32xf32, #tpu.memory_space<vmem>>
      %dma_start3A_72 = arith.constant 384 : i32
      %dma_start3A_73 = tpu.memref_slice %arg7[%dma_start3A_72] : memref<1280xi32, #tpu.memory_space<vmem>> -> memref<128xi32, #tpu.memory_space<vmem>>
      %dma_start3A_74 = arith.constant 0 : i32
      %dma_start3A_75 = arith.constant 0 : i32
      %dma_start3A_76 = tpu.memref_slice %arg2[%dma_start3A_74, %dma_start3A_75] : memref<50000x32xf32, #tpu.memory_space<hbm>> -> memref<50000x32xf32, #tpu.memory_space<hbm>>
      tpu.enqueue_indirect_dma source(%dma_start3A_76 : memref<50000x32xf32, #tpu.memory_space<hbm>>) target(%dma_start3A_71 : memref<128x32xf32, #tpu.memory_space<vmem>>) offsets(%dma_start3A_73 : memref<128xi32, #tpu.memory_space<vmem>>) semaphore(%arg10 : memref<!tpu.dma_semaphore, #tpu.memory_space<semaphore_mem>>)
      %dma_start3A_77 = arith.constant 384 : i32
      %dma_start3A_78 = arith.constant 0 : i32
      %dma_start3A_79 = tpu.memref_slice %arg9[%dma_start3A_77, %dma_start3A_78] : memref<1280x16xf32, #tpu.memory_space<vmem>> -> memref<128x16xf32, #tpu.memory_space<vmem>>
      %dma_start3A_80 = arith.constant 384 : i32
      %dma_start3A_81 = tpu.memref_slice %arg7[%dma_start3A_80] : memref<1280xi32, #tpu.memory_space<vmem>> -> memref<128xi32, #tpu.memory_space<vmem>>
      %dma_start3A_82 = arith.constant 0 : i32
      %dma_start3A_83 = arith.constant 0 : i32
      %dma_start3A_84 = tpu.memref_slice %arg3[%dma_start3A_82, %dma_start3A_83] : memref<50000x16xf32, #tpu.memory_space<hbm>> -> memref<50000x16xf32, #tpu.memory_space<hbm>>
      tpu.enqueue_indirect_dma source(%dma_start3A_84 : memref<50000x16xf32, #tpu.memory_space<hbm>>) target(%dma_start3A_79 : memref<128x16xf32, #tpu.memory_space<vmem>>) offsets(%dma_start3A_81 : memref<128xi32, #tpu.memory_space<vmem>>) semaphore(%arg11 : memref<!tpu.dma_semaphore, #tpu.memory_space<semaphore_mem>>)
      %dma_start3A_85 = arith.constant 512 : i32
      %dma_start3A_86 = arith.constant 0 : i32
      %dma_start3A_87 = tpu.memref_slice %arg8[%dma_start3A_85, %dma_start3A_86] : memref<1280x32xf32, #tpu.memory_space<vmem>> -> memref<128x32xf32, #tpu.memory_space<vmem>>
      %dma_start3A_88 = arith.constant 512 : i32
      %dma_start3A_89 = tpu.memref_slice %arg7[%dma_start3A_88] : memref<1280xi32, #tpu.memory_space<vmem>> -> memref<128xi32, #tpu.memory_space<vmem>>
      %dma_start3A_90 = arith.constant 0 : i32
      %dma_start3A_91 = arith.constant 0 : i32
      %dma_start3A_92 = tpu.memref_slice %arg2[%dma_start3A_90, %dma_start3A_91] : memref<50000x32xf32, #tpu.memory_space<hbm>> -> memref<50000x32xf32, #tpu.memory_space<hbm>>
      tpu.enqueue_indirect_dma source(%dma_start3A_92 : memref<50000x32xf32, #tpu.memory_space<hbm>>) target(%dma_start3A_87 : memref<128x32xf32, #tpu.memory_space<vmem>>) offsets(%dma_start3A_89 : memref<128xi32, #tpu.memory_space<vmem>>) semaphore(%arg10 : memref<!tpu.dma_semaphore, #tpu.memory_space<semaphore_mem>>)
      %dma_start3A_93 = arith.constant 512 : i32
      %dma_start3A_94 = arith.constant 0 : i32
      %dma_start3A_95 = tpu.memref_slice %arg9[%dma_start3A_93, %dma_start3A_94] : memref<1280x16xf32, #tpu.memory_space<vmem>> -> memref<128x16xf32, #tpu.memory_space<vmem>>
      %dma_start3A_96 = arith.constant 512 : i32
      %dma_start3A_97 = tpu.memref_slice %arg7[%dma_start3A_96] : memref<1280xi32, #tpu.memory_space<vmem>> -> memref<128xi32, #tpu.memory_space<vmem>>
      %dma_start3A_98 = arith.constant 0 : i32
      %dma_start3A_99 = arith.constant 0 : i32
      %dma_start3A_100 = tpu.memref_slice %arg3[%dma_start3A_98, %dma_start3A_99] : memref<50000x16xf32, #tpu.memory_space<hbm>> -> memref<50000x16xf32, #tpu.memory_space<hbm>>
      tpu.enqueue_indirect_dma source(%dma_start3A_100 : memref<50000x16xf32, #tpu.memory_space<hbm>>) target(%dma_start3A_95 : memref<128x16xf32, #tpu.memory_space<vmem>>) offsets(%dma_start3A_97 : memref<128xi32, #tpu.memory_space<vmem>>) semaphore(%arg11 : memref<!tpu.dma_semaphore, #tpu.memory_space<semaphore_mem>>)
      %dma_start3A_101 = arith.constant 640 : i32
      %dma_start3A_102 = arith.constant 0 : i32
      %dma_start3A_103 = tpu.memref_slice %arg8[%dma_start3A_101, %dma_start3A_102] : memref<1280x32xf32, #tpu.memory_space<vmem>> -> memref<128x32xf32, #tpu.memory_space<vmem>>
      %dma_start3A_104 = arith.constant 640 : i32
      %dma_start3A_105 = tpu.memref_slice %arg7[%dma_start3A_104] : memref<1280xi32, #tpu.memory_space<vmem>> -> memref<128xi32, #tpu.memory_space<vmem>>
      %dma_start3A_106 = arith.constant 0 : i32
      %dma_start3A_107 = arith.constant 0 : i32
      %dma_start3A_108 = tpu.memref_slice %arg2[%dma_start3A_106, %dma_start3A_107] : memref<50000x32xf32, #tpu.memory_space<hbm>> -> memref<50000x32xf32, #tpu.memory_space<hbm>>
      tpu.enqueue_indirect_dma source(%dma_start3A_108 : memref<50000x32xf32, #tpu.memory_space<hbm>>) target(%dma_start3A_103 : memref<128x32xf32, #tpu.memory_space<vmem>>) offsets(%dma_start3A_105 : memref<128xi32, #tpu.memory_space<vmem>>) semaphore(%arg10 : memref<!tpu.dma_semaphore, #tpu.memory_space<semaphore_mem>>)
      %dma_start3A_109 = arith.constant 640 : i32
      %dma_start3A_110 = arith.constant 0 : i32
      %dma_start3A_111 = tpu.memref_slice %arg9[%dma_start3A_109, %dma_start3A_110] : memref<1280x16xf32, #tpu.memory_space<vmem>> -> memref<128x16xf32, #tpu.memory_space<vmem>>
      %dma_start3A_112 = arith.constant 640 : i32
      %dma_start3A_113 = tpu.memref_slice %arg7[%dma_start3A_112] : memref<1280xi32, #tpu.memory_space<vmem>> -> memref<128xi32, #tpu.memory_space<vmem>>
      %dma_start3A_114 = arith.constant 0 : i32
      %dma_start3A_115 = arith.constant 0 : i32
      %dma_start3A_116 = tpu.memref_slice %arg3[%dma_start3A_114, %dma_start3A_115] : memref<50000x16xf32, #tpu.memory_space<hbm>> -> memref<50000x16xf32, #tpu.memory_space<hbm>>
      tpu.enqueue_indirect_dma source(%dma_start3A_116 : memref<50000x16xf32, #tpu.memory_space<hbm>>) target(%dma_start3A_111 : memref<128x16xf32, #tpu.memory_space<vmem>>) offsets(%dma_start3A_113 : memref<128xi32, #tpu.memory_space<vmem>>) semaphore(%arg11 : memref<!tpu.dma_semaphore, #tpu.memory_space<semaphore_mem>>)
      %dma_start3A_117 = arith.constant 768 : i32
      %dma_start3A_118 = arith.constant 0 : i32
      %dma_start3A_119 = tpu.memref_slice %arg8[%dma_start3A_117, %dma_start3A_118] : memref<1280x32xf32, #tpu.memory_space<vmem>> -> memref<128x32xf32, #tpu.memory_space<vmem>>
      %dma_start3A_120 = arith.constant 768 : i32
      %dma_start3A_121 = tpu.memref_slice %arg7[%dma_start3A_120] : memref<1280xi32, #tpu.memory_space<vmem>> -> memref<128xi32, #tpu.memory_space<vmem>>
      %dma_start3A_122 = arith.constant 0 : i32
      %dma_start3A_123 = arith.constant 0 : i32
      %dma_start3A_124 = tpu.memref_slice %arg2[%dma_start3A_122, %dma_start3A_123] : memref<50000x32xf32, #tpu.memory_space<hbm>> -> memref<50000x32xf32, #tpu.memory_space<hbm>>
      tpu.enqueue_indirect_dma source(%dma_start3A_124 : memref<50000x32xf32, #tpu.memory_space<hbm>>) target(%dma_start3A_119 : memref<128x32xf32, #tpu.memory_space<vmem>>) offsets(%dma_start3A_121 : memref<128xi32, #tpu.memory_space<vmem>>) semaphore(%arg10 : memref<!tpu.dma_semaphore, #tpu.memory_space<semaphore_mem>>)
      %dma_start3A_125 = arith.constant 768 : i32
      %dma_start3A_126 = arith.constant 0 : i32
      %dma_start3A_127 = tpu.memref_slice %arg9[%dma_start3A_125, %dma_start3A_126] : memref<1280x16xf32, #tpu.memory_space<vmem>> -> memref<128x16xf32, #tpu.memory_space<vmem>>
      %dma_start3A_128 = arith.constant 768 : i32
      %dma_start3A_129 = tpu.memref_slice %arg7[%dma_start3A_128] : memref<1280xi32, #tpu.memory_space<vmem>> -> memref<128xi32, #tpu.memory_space<vmem>>
      %dma_start3A_130 = arith.constant 0 : i32
      %dma_start3A_131 = arith.constant 0 : i32
      %dma_start3A_132 = tpu.memref_slice %arg3[%dma_start3A_130, %dma_start3A_131] : memref<50000x16xf32, #tpu.memory_space<hbm>> -> memref<50000x16xf32, #tpu.memory_space<hbm>>
      tpu.enqueue_indirect_dma source(%dma_start3A_132 : memref<50000x16xf32, #tpu.memory_space<hbm>>) target(%dma_start3A_127 : memref<128x16xf32, #tpu.memory_space<vmem>>) offsets(%dma_start3A_129 : memref<128xi32, #tpu.memory_space<vmem>>) semaphore(%arg11 : memref<!tpu.dma_semaphore, #tpu.memory_space<semaphore_mem>>)
      %dma_start3A_133 = arith.constant 896 : i32
      %dma_start3A_134 = arith.constant 0 : i32
      %dma_start3A_135 = tpu.memref_slice %arg8[%dma_start3A_133, %dma_start3A_134] : memref<1280x32xf32, #tpu.memory_space<vmem>> -> memref<128x32xf32, #tpu.memory_space<vmem>>
      %dma_start3A_136 = arith.constant 896 : i32
      %dma_start3A_137 = tpu.memref_slice %arg7[%dma_start3A_136] : memref<1280xi32, #tpu.memory_space<vmem>> -> memref<128xi32, #tpu.memory_space<vmem>>
      %dma_start3A_138 = arith.constant 0 : i32
      %dma_start3A_139 = arith.constant 0 : i32
      %dma_start3A_140 = tpu.memref_slice %arg2[%dma_start3A_138, %dma_start3A_139] : memref<50000x32xf32, #tpu.memory_space<hbm>> -> memref<50000x32xf32, #tpu.memory_space<hbm>>
      tpu.enqueue_indirect_dma source(%dma_start3A_140 : memref<50000x32xf32, #tpu.memory_space<hbm>>) target(%dma_start3A_135 : memref<128x32xf32, #tpu.memory_space<vmem>>) offsets(%dma_start3A_137 : memref<128xi32, #tpu.memory_space<vmem>>) semaphore(%arg10 : memref<!tpu.dma_semaphore, #tpu.memory_space<semaphore_mem>>)
      %dma_start3A_141 = arith.constant 896 : i32
      %dma_start3A_142 = arith.constant 0 : i32
      %dma_start3A_143 = tpu.memref_slice %arg9[%dma_start3A_141, %dma_start3A_142] : memref<1280x16xf32, #tpu.memory_space<vmem>> -> memref<128x16xf32, #tpu.memory_space<vmem>>
      %dma_start3A_144 = arith.constant 896 : i32
      %dma_start3A_145 = tpu.memref_slice %arg7[%dma_start3A_144] : memref<1280xi32, #tpu.memory_space<vmem>> -> memref<128xi32, #tpu.memory_space<vmem>>
      %dma_start3A_146 = arith.constant 0 : i32
      %dma_start3A_147 = arith.constant 0 : i32
      %dma_start3A_148 = tpu.memref_slice %arg3[%dma_start3A_146, %dma_start3A_147] : memref<50000x16xf32, #tpu.memory_space<hbm>> -> memref<50000x16xf32, #tpu.memory_space<hbm>>
      tpu.enqueue_indirect_dma source(%dma_start3A_148 : memref<50000x16xf32, #tpu.memory_space<hbm>>) target(%dma_start3A_143 : memref<128x16xf32, #tpu.memory_space<vmem>>) offsets(%dma_start3A_145 : memref<128xi32, #tpu.memory_space<vmem>>) semaphore(%arg11 : memref<!tpu.dma_semaphore, #tpu.memory_space<semaphore_mem>>)
      %dma_start3A_149 = arith.constant 1024 : i32
      %dma_start3A_150 = arith.constant 0 : i32
      %dma_start3A_151 = tpu.memref_slice %arg8[%dma_start3A_149, %dma_start3A_150] : memref<1280x32xf32, #tpu.memory_space<vmem>> -> memref<128x32xf32, #tpu.memory_space<vmem>>
      %dma_start3A_152 = arith.constant 1024 : i32
      %dma_start3A_153 = tpu.memref_slice %arg7[%dma_start3A_152] : memref<1280xi32, #tpu.memory_space<vmem>> -> memref<128xi32, #tpu.memory_space<vmem>>
      %dma_start3A_154 = arith.constant 0 : i32
      %dma_start3A_155 = arith.constant 0 : i32
      %dma_start3A_156 = tpu.memref_slice %arg2[%dma_start3A_154, %dma_start3A_155] : memref<50000x32xf32, #tpu.memory_space<hbm>> -> memref<50000x32xf32, #tpu.memory_space<hbm>>
      tpu.enqueue_indirect_dma source(%dma_start3A_156 : memref<50000x32xf32, #tpu.memory_space<hbm>>) target(%dma_start3A_151 : memref<128x32xf32, #tpu.memory_space<vmem>>) offsets(%dma_start3A_153 : memref<128xi32, #tpu.memory_space<vmem>>) semaphore(%arg10 : memref<!tpu.dma_semaphore, #tpu.memory_space<semaphore_mem>>)
      %dma_start3A_157 = arith.constant 1024 : i32
      %dma_start3A_158 = arith.constant 0 : i32
      %dma_start3A_159 = tpu.memref_slice %arg9[%dma_start3A_157, %dma_start3A_158] : memref<1280x16xf32, #tpu.memory_space<vmem>> -> memref<128x16xf32, #tpu.memory_space<vmem>>
      %dma_start3A_160 = arith.constant 1024 : i32
      %dma_start3A_161 = tpu.memref_slice %arg7[%dma_start3A_160] : memref<1280xi32, #tpu.memory_space<vmem>> -> memref<128xi32, #tpu.memory_space<vmem>>
      %dma_start3A_162 = arith.constant 0 : i32
      %dma_start3A_163 = arith.constant 0 : i32
      %dma_start3A_164 = tpu.memref_slice %arg3[%dma_start3A_162, %dma_start3A_163] : memref<50000x16xf32, #tpu.memory_space<hbm>> -> memref<50000x16xf32, #tpu.memory_space<hbm>>
      tpu.enqueue_indirect_dma source(%dma_start3A_164 : memref<50000x16xf32, #tpu.memory_space<hbm>>) target(%dma_start3A_159 : memref<128x16xf32, #tpu.memory_space<vmem>>) offsets(%dma_start3A_161 : memref<128xi32, #tpu.memory_space<vmem>>) semaphore(%arg11 : memref<!tpu.dma_semaphore, #tpu.memory_space<semaphore_mem>>)
      %dma_start3A_165 = arith.constant 1152 : i32
      %dma_start3A_166 = arith.constant 0 : i32
      %dma_start3A_167 = tpu.memref_slice %arg8[%dma_start3A_165, %dma_start3A_166] : memref<1280x32xf32, #tpu.memory_space<vmem>> -> memref<128x32xf32, #tpu.memory_space<vmem>>
      %dma_start3A_168 = arith.constant 1152 : i32
      %dma_start3A_169 = tpu.memref_slice %arg7[%dma_start3A_168] : memref<1280xi32, #tpu.memory_space<vmem>> -> memref<128xi32, #tpu.memory_space<vmem>>
      %dma_start3A_170 = arith.constant 0 : i32
      %dma_start3A_171 = arith.constant 0 : i32
      %dma_start3A_172 = tpu.memref_slice %arg2[%dma_start3A_170, %dma_start3A_171] : memref<50000x32xf32, #tpu.memory_space<hbm>> -> memref<50000x32xf32, #tpu.memory_space<hbm>>
      tpu.enqueue_indirect_dma source(%dma_start3A_172 : memref<50000x32xf32, #tpu.memory_space<hbm>>) target(%dma_start3A_167 : memref<128x32xf32, #tpu.memory_space<vmem>>) offsets(%dma_start3A_169 : memref<128xi32, #tpu.memory_space<vmem>>) semaphore(%arg10 : memref<!tpu.dma_semaphore, #tpu.memory_space<semaphore_mem>>)
      %dma_start3A_173 = arith.constant 1152 : i32
      %dma_start3A_174 = arith.constant 0 : i32
      %dma_start3A_175 = tpu.memref_slice %arg9[%dma_start3A_173, %dma_start3A_174] : memref<1280x16xf32, #tpu.memory_space<vmem>> -> memref<128x16xf32, #tpu.memory_space<vmem>>
      %dma_start3A_176 = arith.constant 1152 : i32
      %dma_start3A_177 = tpu.memref_slice %arg7[%dma_start3A_176] : memref<1280xi32, #tpu.memory_space<vmem>> -> memref<128xi32, #tpu.memory_space<vmem>>
      %dma_start3A_178 = arith.constant 0 : i32
      %dma_start3A_179 = arith.constant 0 : i32
      %dma_start3A_180 = tpu.memref_slice %arg3[%dma_start3A_178, %dma_start3A_179] : memref<50000x16xf32, #tpu.memory_space<hbm>> -> memref<50000x16xf32, #tpu.memory_space<hbm>>
      tpu.enqueue_indirect_dma source(%dma_start3A_180 : memref<50000x16xf32, #tpu.memory_space<hbm>>) target(%dma_start3A_175 : memref<128x16xf32, #tpu.memory_space<vmem>>) offsets(%dma_start3A_177 : memref<128xi32, #tpu.memory_space<vmem>>) semaphore(%arg11 : memref<!tpu.dma_semaphore, #tpu.memory_space<semaphore_mem>>)
      %dma_wait3A = arith.constant 0 : i32
      %dma_wait3A_181 = arith.constant 0 : i32
      %dma_wait3A_182 = tpu.memref_slice %arg8[%dma_wait3A, %dma_wait3A_181] : memref<1280x32xf32, #tpu.memory_space<vmem>> -> memref<128x32xf32, #tpu.memory_space<vmem>>
      %dma_wait3A_183 = arith.constant 0 : i32
      %dma_wait3A_184 = tpu.memref_slice %arg7[%dma_wait3A_183] : memref<1280xi32, #tpu.memory_space<vmem>> -> memref<128xi32, #tpu.memory_space<vmem>>
      %dma_wait3A_185 = arith.constant 0 : i32
      %dma_wait3A_186 = arith.constant 0 : i32
      %dma_wait3A_187 = tpu.memref_slice %arg2[%dma_wait3A_185, %dma_wait3A_186] : memref<50000x32xf32, #tpu.memory_space<hbm>> -> memref<50000x32xf32, #tpu.memory_space<hbm>>
      tpu.wait_indirect_dma semaphore(%arg10 : memref<!tpu.dma_semaphore, #tpu.memory_space<semaphore_mem>>) src(%dma_wait3A_187 : memref<50000x32xf32, #tpu.memory_space<hbm>>) dst(%dma_wait3A_182 : memref<128x32xf32, #tpu.memory_space<vmem>>)
      %dma_wait3A_188 = arith.constant 0 : i32
      %dma_wait3A_189 = arith.constant 0 : i32
      %dma_wait3A_190 = tpu.memref_slice %arg9[%dma_wait3A_188, %dma_wait3A_189] : memref<1280x16xf32, #tpu.memory_space<vmem>> -> memref<128x16xf32, #tpu.memory_space<vmem>>
      %dma_wait3A_191 = arith.constant 0 : i32
      %dma_wait3A_192 = tpu.memref_slice %arg7[%dma_wait3A_191] : memref<1280xi32, #tpu.memory_space<vmem>> -> memref<128xi32, #tpu.memory_space<vmem>>
      %dma_wait3A_193 = arith.constant 0 : i32
      %dma_wait3A_194 = arith.constant 0 : i32
      %dma_wait3A_195 = tpu.memref_slice %arg3[%dma_wait3A_193, %dma_wait3A_194] : memref<50000x16xf32, #tpu.memory_space<hbm>> -> memref<50000x16xf32, #tpu.memory_space<hbm>>
      tpu.wait_indirect_dma semaphore(%arg11 : memref<!tpu.dma_semaphore, #tpu.memory_space<semaphore_mem>>) src(%dma_wait3A_195 : memref<50000x16xf32, #tpu.memory_space<hbm>>) dst(%dma_wait3A_190 : memref<128x16xf32, #tpu.memory_space<vmem>>)
      %dma_wait3A_196 = arith.constant 128 : i32
      %dma_wait3A_197 = arith.constant 0 : i32
      %dma_wait3A_198 = tpu.memref_slice %arg8[%dma_wait3A_196, %dma_wait3A_197] : memref<1280x32xf32, #tpu.memory_space<vmem>> -> memref<128x32xf32, #tpu.memory_space<vmem>>
      %dma_wait3A_199 = arith.constant 128 : i32
      %dma_wait3A_200 = tpu.memref_slice %arg7[%dma_wait3A_199] : memref<1280xi32, #tpu.memory_space<vmem>> -> memref<128xi32, #tpu.memory_space<vmem>>
      %dma_wait3A_201 = arith.constant 0 : i32
      %dma_wait3A_202 = arith.constant 0 : i32
      %dma_wait3A_203 = tpu.memref_slice %arg2[%dma_wait3A_201, %dma_wait3A_202] : memref<50000x32xf32, #tpu.memory_space<hbm>> -> memref<50000x32xf32, #tpu.memory_space<hbm>>
      tpu.wait_indirect_dma semaphore(%arg10 : memref<!tpu.dma_semaphore, #tpu.memory_space<semaphore_mem>>) src(%dma_wait3A_203 : memref<50000x32xf32, #tpu.memory_space<hbm>>) dst(%dma_wait3A_198 : memref<128x32xf32, #tpu.memory_space<vmem>>)
      %dma_wait3A_204 = arith.constant 128 : i32
      %dma_wait3A_205 = arith.constant 0 : i32
      %dma_wait3A_206 = tpu.memref_slice %arg9[%dma_wait3A_204, %dma_wait3A_205] : memref<1280x16xf32, #tpu.memory_space<vmem>> -> memref<128x16xf32, #tpu.memory_space<vmem>>
      %dma_wait3A_207 = arith.constant 128 : i32
      %dma_wait3A_208 = tpu.memref_slice %arg7[%dma_wait3A_207] : memref<1280xi32, #tpu.memory_space<vmem>> -> memref<128xi32, #tpu.memory_space<vmem>>
      %dma_wait3A_209 = arith.constant 0 : i32
      %dma_wait3A_210 = arith.constant 0 : i32
      %dma_wait3A_211 = tpu.memref_slice %arg3[%dma_wait3A_209, %dma_wait3A_210] : memref<50000x16xf32, #tpu.memory_space<hbm>> -> memref<50000x16xf32, #tpu.memory_space<hbm>>
      tpu.wait_indirect_dma semaphore(%arg11 : memref<!tpu.dma_semaphore, #tpu.memory_space<semaphore_mem>>) src(%dma_wait3A_211 : memref<50000x16xf32, #tpu.memory_space<hbm>>) dst(%dma_wait3A_206 : memref<128x16xf32, #tpu.memory_space<vmem>>)
      %dma_wait3A_212 = arith.constant 256 : i32
      %dma_wait3A_213 = arith.constant 0 : i32
      %dma_wait3A_214 = tpu.memref_slice %arg8[%dma_wait3A_212, %dma_wait3A_213] : memref<1280x32xf32, #tpu.memory_space<vmem>> -> memref<128x32xf32, #tpu.memory_space<vmem>>
      %dma_wait3A_215 = arith.constant 256 : i32
      %dma_wait3A_216 = tpu.memref_slice %arg7[%dma_wait3A_215] : memref<1280xi32, #tpu.memory_space<vmem>> -> memref<128xi32, #tpu.memory_space<vmem>>
      %dma_wait3A_217 = arith.constant 0 : i32
      %dma_wait3A_218 = arith.constant 0 : i32
      %dma_wait3A_219 = tpu.memref_slice %arg2[%dma_wait3A_217, %dma_wait3A_218] : memref<50000x32xf32, #tpu.memory_space<hbm>> -> memref<50000x32xf32, #tpu.memory_space<hbm>>
      tpu.wait_indirect_dma semaphore(%arg10 : memref<!tpu.dma_semaphore, #tpu.memory_space<semaphore_mem>>) src(%dma_wait3A_219 : memref<50000x32xf32, #tpu.memory_space<hbm>>) dst(%dma_wait3A_214 : memref<128x32xf32, #tpu.memory_space<vmem>>)
      %dma_wait3A_220 = arith.constant 256 : i32
      %dma_wait3A_221 = arith.constant 0 : i32
      %dma_wait3A_222 = tpu.memref_slice %arg9[%dma_wait3A_220, %dma_wait3A_221] : memref<1280x16xf32, #tpu.memory_space<vmem>> -> memref<128x16xf32, #tpu.memory_space<vmem>>
      %dma_wait3A_223 = arith.constant 256 : i32
      %dma_wait3A_224 = tpu.memref_slice %arg7[%dma_wait3A_223] : memref<1280xi32, #tpu.memory_space<vmem>> -> memref<128xi32, #tpu.memory_space<vmem>>
      %dma_wait3A_225 = arith.constant 0 : i32
      %dma_wait3A_226 = arith.constant 0 : i32
      %dma_wait3A_227 = tpu.memref_slice %arg3[%dma_wait3A_225, %dma_wait3A_226] : memref<50000x16xf32, #tpu.memory_space<hbm>> -> memref<50000x16xf32, #tpu.memory_space<hbm>>
      tpu.wait_indirect_dma semaphore(%arg11 : memref<!tpu.dma_semaphore, #tpu.memory_space<semaphore_mem>>) src(%dma_wait3A_227 : memref<50000x16xf32, #tpu.memory_space<hbm>>) dst(%dma_wait3A_222 : memref<128x16xf32, #tpu.memory_space<vmem>>)
      %dma_wait3A_228 = arith.constant 384 : i32
      %dma_wait3A_229 = arith.constant 0 : i32
      %dma_wait3A_230 = tpu.memref_slice %arg8[%dma_wait3A_228, %dma_wait3A_229] : memref<1280x32xf32, #tpu.memory_space<vmem>> -> memref<128x32xf32, #tpu.memory_space<vmem>>
      %dma_wait3A_231 = arith.constant 384 : i32
      %dma_wait3A_232 = tpu.memref_slice %arg7[%dma_wait3A_231] : memref<1280xi32, #tpu.memory_space<vmem>> -> memref<128xi32, #tpu.memory_space<vmem>>
      %dma_wait3A_233 = arith.constant 0 : i32
      %dma_wait3A_234 = arith.constant 0 : i32
      %dma_wait3A_235 = tpu.memref_slice %arg2[%dma_wait3A_233, %dma_wait3A_234] : memref<50000x32xf32, #tpu.memory_space<hbm>> -> memref<50000x32xf32, #tpu.memory_space<hbm>>
      tpu.wait_indirect_dma semaphore(%arg10 : memref<!tpu.dma_semaphore, #tpu.memory_space<semaphore_mem>>) src(%dma_wait3A_235 : memref<50000x32xf32, #tpu.memory_space<hbm>>) dst(%dma_wait3A_230 : memref<128x32xf32, #tpu.memory_space<vmem>>)
      %dma_wait3A_236 = arith.constant 384 : i32
      %dma_wait3A_237 = arith.constant 0 : i32
      %dma_wait3A_238 = tpu.memref_slice %arg9[%dma_wait3A_236, %dma_wait3A_237] : memref<1280x16xf32, #tpu.memory_space<vmem>> -> memref<128x16xf32, #tpu.memory_space<vmem>>
      %dma_wait3A_239 = arith.constant 384 : i32
      %dma_wait3A_240 = tpu.memref_slice %arg7[%dma_wait3A_239] : memref<1280xi32, #tpu.memory_space<vmem>> -> memref<128xi32, #tpu.memory_space<vmem>>
      %dma_wait3A_241 = arith.constant 0 : i32
      %dma_wait3A_242 = arith.constant 0 : i32
      %dma_wait3A_243 = tpu.memref_slice %arg3[%dma_wait3A_241, %dma_wait3A_242] : memref<50000x16xf32, #tpu.memory_space<hbm>> -> memref<50000x16xf32, #tpu.memory_space<hbm>>
      tpu.wait_indirect_dma semaphore(%arg11 : memref<!tpu.dma_semaphore, #tpu.memory_space<semaphore_mem>>) src(%dma_wait3A_243 : memref<50000x16xf32, #tpu.memory_space<hbm>>) dst(%dma_wait3A_238 : memref<128x16xf32, #tpu.memory_space<vmem>>)
      %dma_wait3A_244 = arith.constant 512 : i32
      %dma_wait3A_245 = arith.constant 0 : i32
      %dma_wait3A_246 = tpu.memref_slice %arg8[%dma_wait3A_244, %dma_wait3A_245] : memref<1280x32xf32, #tpu.memory_space<vmem>> -> memref<128x32xf32, #tpu.memory_space<vmem>>
      %dma_wait3A_247 = arith.constant 512 : i32
      %dma_wait3A_248 = tpu.memref_slice %arg7[%dma_wait3A_247] : memref<1280xi32, #tpu.memory_space<vmem>> -> memref<128xi32, #tpu.memory_space<vmem>>
      %dma_wait3A_249 = arith.constant 0 : i32
      %dma_wait3A_250 = arith.constant 0 : i32
      %dma_wait3A_251 = tpu.memref_slice %arg2[%dma_wait3A_249, %dma_wait3A_250] : memref<50000x32xf32, #tpu.memory_space<hbm>> -> memref<50000x32xf32, #tpu.memory_space<hbm>>
      tpu.wait_indirect_dma semaphore(%arg10 : memref<!tpu.dma_semaphore, #tpu.memory_space<semaphore_mem>>) src(%dma_wait3A_251 : memref<50000x32xf32, #tpu.memory_space<hbm>>) dst(%dma_wait3A_246 : memref<128x32xf32, #tpu.memory_space<vmem>>)
      %dma_wait3A_252 = arith.constant 512 : i32
      %dma_wait3A_253 = arith.constant 0 : i32
      %dma_wait3A_254 = tpu.memref_slice %arg9[%dma_wait3A_252, %dma_wait3A_253] : memref<1280x16xf32, #tpu.memory_space<vmem>> -> memref<128x16xf32, #tpu.memory_space<vmem>>
      %dma_wait3A_255 = arith.constant 512 : i32
      %dma_wait3A_256 = tpu.memref_slice %arg7[%dma_wait3A_255] : memref<1280xi32, #tpu.memory_space<vmem>> -> memref<128xi32, #tpu.memory_space<vmem>>
      %dma_wait3A_257 = arith.constant 0 : i32
      %dma_wait3A_258 = arith.constant 0 : i32
      %dma_wait3A_259 = tpu.memref_slice %arg3[%dma_wait3A_257, %dma_wait3A_258] : memref<50000x16xf32, #tpu.memory_space<hbm>> -> memref<50000x16xf32, #tpu.memory_space<hbm>>
      tpu.wait_indirect_dma semaphore(%arg11 : memref<!tpu.dma_semaphore, #tpu.memory_space<semaphore_mem>>) src(%dma_wait3A_259 : memref<50000x16xf32, #tpu.memory_space<hbm>>) dst(%dma_wait3A_254 : memref<128x16xf32, #tpu.memory_space<vmem>>)
      %dma_wait3A_260 = arith.constant 640 : i32
      %dma_wait3A_261 = arith.constant 0 : i32
      %dma_wait3A_262 = tpu.memref_slice %arg8[%dma_wait3A_260, %dma_wait3A_261] : memref<1280x32xf32, #tpu.memory_space<vmem>> -> memref<128x32xf32, #tpu.memory_space<vmem>>
      %dma_wait3A_263 = arith.constant 640 : i32
      %dma_wait3A_264 = tpu.memref_slice %arg7[%dma_wait3A_263] : memref<1280xi32, #tpu.memory_space<vmem>> -> memref<128xi32, #tpu.memory_space<vmem>>
      %dma_wait3A_265 = arith.constant 0 : i32
      %dma_wait3A_266 = arith.constant 0 : i32
      %dma_wait3A_267 = tpu.memref_slice %arg2[%dma_wait3A_265, %dma_wait3A_266] : memref<50000x32xf32, #tpu.memory_space<hbm>> -> memref<50000x32xf32, #tpu.memory_space<hbm>>
      tpu.wait_indirect_dma semaphore(%arg10 : memref<!tpu.dma_semaphore, #tpu.memory_space<semaphore_mem>>) src(%dma_wait3A_267 : memref<50000x32xf32, #tpu.memory_space<hbm>>) dst(%dma_wait3A_262 : memref<128x32xf32, #tpu.memory_space<vmem>>)
      %dma_wait3A_268 = arith.constant 640 : i32
      %dma_wait3A_269 = arith.constant 0 : i32
      %dma_wait3A_270 = tpu.memref_slice %arg9[%dma_wait3A_268, %dma_wait3A_269] : memref<1280x16xf32, #tpu.memory_space<vmem>> -> memref<128x16xf32, #tpu.memory_space<vmem>>
      %dma_wait3A_271 = arith.constant 640 : i32
      %dma_wait3A_272 = tpu.memref_slice %arg7[%dma_wait3A_271] : memref<1280xi32, #tpu.memory_space<vmem>> -> memref<128xi32, #tpu.memory_space<vmem>>
      %dma_wait3A_273 = arith.constant 0 : i32
      %dma_wait3A_274 = arith.constant 0 : i32
      %dma_wait3A_275 = tpu.memref_slice %arg3[%dma_wait3A_273, %dma_wait3A_274] : memref<50000x16xf32, #tpu.memory_space<hbm>> -> memref<50000x16xf32, #tpu.memory_space<hbm>>
      tpu.wait_indirect_dma semaphore(%arg11 : memref<!tpu.dma_semaphore, #tpu.memory_space<semaphore_mem>>) src(%dma_wait3A_275 : memref<50000x16xf32, #tpu.memory_space<hbm>>) dst(%dma_wait3A_270 : memref<128x16xf32, #tpu.memory_space<vmem>>)
      %dma_wait3A_276 = arith.constant 768 : i32
      %dma_wait3A_277 = arith.constant 0 : i32
      %dma_wait3A_278 = tpu.memref_slice %arg8[%dma_wait3A_276, %dma_wait3A_277] : memref<1280x32xf32, #tpu.memory_space<vmem>> -> memref<128x32xf32, #tpu.memory_space<vmem>>
      %dma_wait3A_279 = arith.constant 768 : i32
      %dma_wait3A_280 = tpu.memref_slice %arg7[%dma_wait3A_279] : memref<1280xi32, #tpu.memory_space<vmem>> -> memref<128xi32, #tpu.memory_space<vmem>>
      %dma_wait3A_281 = arith.constant 0 : i32
      %dma_wait3A_282 = arith.constant 0 : i32
      %dma_wait3A_283 = tpu.memref_slice %arg2[%dma_wait3A_281, %dma_wait3A_282] : memref<50000x32xf32, #tpu.memory_space<hbm>> -> memref<50000x32xf32, #tpu.memory_space<hbm>>
      tpu.wait_indirect_dma semaphore(%arg10 : memref<!tpu.dma_semaphore, #tpu.memory_space<semaphore_mem>>) src(%dma_wait3A_283 : memref<50000x32xf32, #tpu.memory_space<hbm>>) dst(%dma_wait3A_278 : memref<128x32xf32, #tpu.memory_space<vmem>>)
      %dma_wait3A_284 = arith.constant 768 : i32
      %dma_wait3A_285 = arith.constant 0 : i32
      %dma_wait3A_286 = tpu.memref_slice %arg9[%dma_wait3A_284, %dma_wait3A_285] : memref<1280x16xf32, #tpu.memory_space<vmem>> -> memref<128x16xf32, #tpu.memory_space<vmem>>
      %dma_wait3A_287 = arith.constant 768 : i32
      %dma_wait3A_288 = tpu.memref_slice %arg7[%dma_wait3A_287] : memref<1280xi32, #tpu.memory_space<vmem>> -> memref<128xi32, #tpu.memory_space<vmem>>
      %dma_wait3A_289 = arith.constant 0 : i32
      %dma_wait3A_290 = arith.constant 0 : i32
      %dma_wait3A_291 = tpu.memref_slice %arg3[%dma_wait3A_289, %dma_wait3A_290] : memref<50000x16xf32, #tpu.memory_space<hbm>> -> memref<50000x16xf32, #tpu.memory_space<hbm>>
      tpu.wait_indirect_dma semaphore(%arg11 : memref<!tpu.dma_semaphore, #tpu.memory_space<semaphore_mem>>) src(%dma_wait3A_291 : memref<50000x16xf32, #tpu.memory_space<hbm>>) dst(%dma_wait3A_286 : memref<128x16xf32, #tpu.memory_space<vmem>>)
      %dma_wait3A_292 = arith.constant 896 : i32
      %dma_wait3A_293 = arith.constant 0 : i32
      %dma_wait3A_294 = tpu.memref_slice %arg8[%dma_wait3A_292, %dma_wait3A_293] : memref<1280x32xf32, #tpu.memory_space<vmem>> -> memref<128x32xf32, #tpu.memory_space<vmem>>
      %dma_wait3A_295 = arith.constant 896 : i32
      %dma_wait3A_296 = tpu.memref_slice %arg7[%dma_wait3A_295] : memref<1280xi32, #tpu.memory_space<vmem>> -> memref<128xi32, #tpu.memory_space<vmem>>
      %dma_wait3A_297 = arith.constant 0 : i32
      %dma_wait3A_298 = arith.constant 0 : i32
      %dma_wait3A_299 = tpu.memref_slice %arg2[%dma_wait3A_297, %dma_wait3A_298] : memref<50000x32xf32, #tpu.memory_space<hbm>> -> memref<50000x32xf32, #tpu.memory_space<hbm>>
      tpu.wait_indirect_dma semaphore(%arg10 : memref<!tpu.dma_semaphore, #tpu.memory_space<semaphore_mem>>) src(%dma_wait3A_299 : memref<50000x32xf32, #tpu.memory_space<hbm>>) dst(%dma_wait3A_294 : memref<128x32xf32, #tpu.memory_space<vmem>>)
      %dma_wait3A_300 = arith.constant 896 : i32
      %dma_wait3A_301 = arith.constant 0 : i32
      %dma_wait3A_302 = tpu.memref_slice %arg9[%dma_wait3A_300, %dma_wait3A_301] : memref<1280x16xf32, #tpu.memory_space<vmem>> -> memref<128x16xf32, #tpu.memory_space<vmem>>
      %dma_wait3A_303 = arith.constant 896 : i32
      %dma_wait3A_304 = tpu.memref_slice %arg7[%dma_wait3A_303] : memref<1280xi32, #tpu.memory_space<vmem>> -> memref<128xi32, #tpu.memory_space<vmem>>
      %dma_wait3A_305 = arith.constant 0 : i32
      %dma_wait3A_306 = arith.constant 0 : i32
      %dma_wait3A_307 = tpu.memref_slice %arg3[%dma_wait3A_305, %dma_wait3A_306] : memref<50000x16xf32, #tpu.memory_space<hbm>> -> memref<50000x16xf32, #tpu.memory_space<hbm>>
      tpu.wait_indirect_dma semaphore(%arg11 : memref<!tpu.dma_semaphore, #tpu.memory_space<semaphore_mem>>) src(%dma_wait3A_307 : memref<50000x16xf32, #tpu.memory_space<hbm>>) dst(%dma_wait3A_302 : memref<128x16xf32, #tpu.memory_space<vmem>>)
      %dma_wait3A_308 = arith.constant 1024 : i32
      %dma_wait3A_309 = arith.constant 0 : i32
      %dma_wait3A_310 = tpu.memref_slice %arg8[%dma_wait3A_308, %dma_wait3A_309] : memref<1280x32xf32, #tpu.memory_space<vmem>> -> memref<128x32xf32, #tpu.memory_space<vmem>>
      %dma_wait3A_311 = arith.constant 1024 : i32
      %dma_wait3A_312 = tpu.memref_slice %arg7[%dma_wait3A_311] : memref<1280xi32, #tpu.memory_space<vmem>> -> memref<128xi32, #tpu.memory_space<vmem>>
      %dma_wait3A_313 = arith.constant 0 : i32
      %dma_wait3A_314 = arith.constant 0 : i32
      %dma_wait3A_315 = tpu.memref_slice %arg2[%dma_wait3A_313, %dma_wait3A_314] : memref<50000x32xf32, #tpu.memory_space<hbm>> -> memref<50000x32xf32, #tpu.memory_space<hbm>>
      tpu.wait_indirect_dma semaphore(%arg10 : memref<!tpu.dma_semaphore, #tpu.memory_space<semaphore_mem>>) src(%dma_wait3A_315 : memref<50000x32xf32, #tpu.memory_space<hbm>>) dst(%dma_wait3A_310 : memref<128x32xf32, #tpu.memory_space<vmem>>)
      %dma_wait3A_316 = arith.constant 1024 : i32
      %dma_wait3A_317 = arith.constant 0 : i32
      %dma_wait3A_318 = tpu.memref_slice %arg9[%dma_wait3A_316, %dma_wait3A_317] : memref<1280x16xf32, #tpu.memory_space<vmem>> -> memref<128x16xf32, #tpu.memory_space<vmem>>
      %dma_wait3A_319 = arith.constant 1024 : i32
      %dma_wait3A_320 = tpu.memref_slice %arg7[%dma_wait3A_319] : memref<1280xi32, #tpu.memory_space<vmem>> -> memref<128xi32, #tpu.memory_space<vmem>>
      %dma_wait3A_321 = arith.constant 0 : i32
      %dma_wait3A_322 = arith.constant 0 : i32
      %dma_wait3A_323 = tpu.memref_slice %arg3[%dma_wait3A_321, %dma_wait3A_322] : memref<50000x16xf32, #tpu.memory_space<hbm>> -> memref<50000x16xf32, #tpu.memory_space<hbm>>
      tpu.wait_indirect_dma semaphore(%arg11 : memref<!tpu.dma_semaphore, #tpu.memory_space<semaphore_mem>>) src(%dma_wait3A_323 : memref<50000x16xf32, #tpu.memory_space<hbm>>) dst(%dma_wait3A_318 : memref<128x16xf32, #tpu.memory_space<vmem>>)
      %dma_wait3A_324 = arith.constant 1152 : i32
      %dma_wait3A_325 = arith.constant 0 : i32
      %dma_wait3A_326 = tpu.memref_slice %arg8[%dma_wait3A_324, %dma_wait3A_325] : memref<1280x32xf32, #tpu.memory_space<vmem>> -> memref<128x32xf32, #tpu.memory_space<vmem>>
      %dma_wait3A_327 = arith.constant 1152 : i32
      %dma_wait3A_328 = tpu.memref_slice %arg7[%dma_wait3A_327] : memref<1280xi32, #tpu.memory_space<vmem>> -> memref<128xi32, #tpu.memory_space<vmem>>
      %dma_wait3A_329 = arith.constant 0 : i32
      %dma_wait3A_330 = arith.constant 0 : i32
      %dma_wait3A_331 = tpu.memref_slice %arg2[%dma_wait3A_329, %dma_wait3A_330] : memref<50000x32xf32, #tpu.memory_space<hbm>> -> memref<50000x32xf32, #tpu.memory_space<hbm>>
      tpu.wait_indirect_dma semaphore(%arg10 : memref<!tpu.dma_semaphore, #tpu.memory_space<semaphore_mem>>) src(%dma_wait3A_331 : memref<50000x32xf32, #tpu.memory_space<hbm>>) dst(%dma_wait3A_326 : memref<128x32xf32, #tpu.memory_space<vmem>>)
      %dma_wait3A_332 = arith.constant 1152 : i32
      %dma_wait3A_333 = arith.constant 0 : i32
      %dma_wait3A_334 = tpu.memref_slice %arg9[%dma_wait3A_332, %dma_wait3A_333] : memref<1280x16xf32, #tpu.memory_space<vmem>> -> memref<128x16xf32, #tpu.memory_space<vmem>>
      %dma_wait3A_335 = arith.constant 1152 : i32
      %dma_wait3A_336 = tpu.memref_slice %arg7[%dma_wait3A_335] : memref<1280xi32, #tpu.memory_space<vmem>> -> memref<128xi32, #tpu.memory_space<vmem>>
      %dma_wait3A_337 = arith.constant 0 : i32
      %dma_wait3A_338 = arith.constant 0 : i32
      %dma_wait3A_339 = tpu.memref_slice %arg3[%dma_wait3A_337, %dma_wait3A_338] : memref<50000x16xf32, #tpu.memory_space<hbm>> -> memref<50000x16xf32, #tpu.memory_space<hbm>>
      tpu.wait_indirect_dma semaphore(%arg11 : memref<!tpu.dma_semaphore, #tpu.memory_space<semaphore_mem>>) src(%dma_wait3A_339 : memref<50000x16xf32, #tpu.memory_space<hbm>>) dst(%dma_wait3A_334 : memref<128x16xf32, #tpu.memory_space<vmem>>)
      "tpu.region"() ({
        %run_scoped3A = tpu.sem_alloc : memref<!tpu.dma_semaphore, #tpu.memory_space<semaphore_mem>>
        %dma_start3A_340 = arith.constant 0 : i32
        %dma_start3A_341 = tpu.memref_slice %arg5[%multiple_of3A, %dma_start3A_340] : memref<800000x32xf32, #tpu.memory_space<hbm>> -> memref<1280x32xf32, #tpu.memory_space<hbm>>
        %dma_start3A_342 = arith.constant 0 : i32
        %dma_start3A_343 = tpu.memref_slice %arg5[%multiple_of3A, %dma_start3A_342] : memref<800000x32xf32, #tpu.memory_space<hbm>> -> memref<1280x32xf32, #tpu.memory_space<hbm>>
        tpu.enqueue_dma source(%arg8 : memref<1280x32xf32, #tpu.memory_space<vmem>>) target(%dma_start3A_343 : memref<1280x32xf32, #tpu.memory_space<hbm>>) target_semaphore(%run_scoped3A : memref<!tpu.dma_semaphore, #tpu.memory_space<semaphore_mem>>)
        %dma_wait3A_344 = arith.constant 0 : i32
        %dma_wait3A_345 = tpu.memref_slice %arg5[%multiple_of3A, %dma_wait3A_344] : memref<800000x32xf32, #tpu.memory_space<hbm>> -> memref<1280x32xf32, #tpu.memory_space<hbm>>
        %dma_wait3A_346 = arith.constant 0 : i32
        %dma_wait3A_347 = tpu.memref_slice %arg5[%multiple_of3A, %dma_wait3A_346] : memref<800000x32xf32, #tpu.memory_space<hbm>> -> memref<1280x32xf32, #tpu.memory_space<hbm>>
        tpu.wait_dma2 semaphore(%run_scoped3A : memref<!tpu.dma_semaphore, #tpu.memory_space<semaphore_mem>>) src(%arg8 : memref<1280x32xf32, #tpu.memory_space<vmem>>) dst(%dma_wait3A_347 : memref<1280x32xf32, #tpu.memory_space<hbm>>)
        tpu.yield
      }) : () -> ()
      "tpu.region"() ({
        %run_scoped3A = tpu.sem_alloc : memref<!tpu.dma_semaphore, #tpu.memory_space<semaphore_mem>>
        %dma_start3A_340 = arith.constant 0 : i32
        %dma_start3A_341 = tpu.memref_slice %arg6[%multiple_of3A, %dma_start3A_340] : memref<800000x16xf32, #tpu.memory_space<hbm>> -> memref<1280x16xf32, #tpu.memory_space<hbm>>
        %dma_start3A_342 = arith.constant 0 : i32
        %dma_start3A_343 = tpu.memref_slice %arg6[%multiple_of3A, %dma_start3A_342] : memref<800000x16xf32, #tpu.memory_space<hbm>> -> memref<1280x16xf32, #tpu.memory_space<hbm>>
        tpu.enqueue_dma source(%arg9 : memref<1280x16xf32, #tpu.memory_space<vmem>>) target(%dma_start3A_343 : memref<1280x16xf32, #tpu.memory_space<hbm>>) target_semaphore(%run_scoped3A : memref<!tpu.dma_semaphore, #tpu.memory_space<semaphore_mem>>)
        %dma_wait3A_344 = arith.constant 0 : i32
        %dma_wait3A_345 = tpu.memref_slice %arg6[%multiple_of3A, %dma_wait3A_344] : memref<800000x16xf32, #tpu.memory_space<hbm>> -> memref<1280x16xf32, #tpu.memory_space<hbm>>
        %dma_wait3A_346 = arith.constant 0 : i32
        %dma_wait3A_347 = tpu.memref_slice %arg6[%multiple_of3A, %dma_wait3A_346] : memref<800000x16xf32, #tpu.memory_space<hbm>> -> memref<1280x16xf32, #tpu.memory_space<hbm>>
        tpu.wait_dma2 semaphore(%run_scoped3A : memref<!tpu.dma_semaphore, #tpu.memory_space<semaphore_mem>>) src(%arg9 : memref<1280x16xf32, #tpu.memory_space<vmem>>) dst(%dma_wait3A_347 : memref<1280x16xf32, #tpu.memory_space<hbm>>)
        tpu.yield
      }) : () -> ()
    }
    %while3A_17 = arith.constant 1 : i32
    scf.for %while3A_18 = %while3A_15 to %while3A_11 step %while3A_17  : i32 {
      %add3A_19 = arith.addi %add3A_8, %while3A_18 : i32
      %mul3A_20 = arith.constant 1280 : i32
      %mul3A_21 = arith.muli %add3A_19, %mul3A_20 : i32
      %multiple_of3A = tpu.assume_multiple %mul3A_21, 128 : i32
      "tpu.region"() ({
        %run_scoped3A = tpu.sem_alloc : memref<!tpu.dma_semaphore, #tpu.memory_space<semaphore_mem>>
        %dma_start3A_340 = tpu.memref_slice %arg4[%multiple_of3A] : memref<800000xi32, #tpu.memory_space<hbm>> -> memref<1280xi32, #tpu.memory_space<hbm>>
        %dma_start3A_341 = tpu.memref_slice %arg4[%multiple_of3A] : memref<800000xi32, #tpu.memory_space<hbm>> -> memref<1280xi32, #tpu.memory_space<hbm>>
        tpu.enqueue_dma source(%dma_start3A_341 : memref<1280xi32, #tpu.memory_space<hbm>>) target(%arg7 : memref<1280xi32, #tpu.memory_space<vmem>>) target_semaphore(%run_scoped3A : memref<!tpu.dma_semaphore, #tpu.memory_space<semaphore_mem>>)
        %dma_wait3A_342 = tpu.memref_slice %arg4[%multiple_of3A] : memref<800000xi32, #tpu.memory_space<hbm>> -> memref<1280xi32, #tpu.memory_space<hbm>>
        %dma_wait3A_343 = tpu.memref_slice %arg4[%multiple_of3A] : memref<800000xi32, #tpu.memory_space<hbm>> -> memref<1280xi32, #tpu.memory_space<hbm>>
        tpu.wait_dma2 semaphore(%run_scoped3A : memref<!tpu.dma_semaphore, #tpu.memory_space<semaphore_mem>>) src(%dma_wait3A_343 : memref<1280xi32, #tpu.memory_space<hbm>>) dst(%arg7 : memref<1280xi32, #tpu.memory_space<vmem>>)
        tpu.yield
      }) : () -> ()
      %dma_start3A = arith.constant 0 : i32
      %dma_start3A_22 = arith.constant 0 : i32
      %dma_start3A_23 = tpu.memref_slice %arg8[%dma_start3A, %dma_start3A_22] : memref<1280x32xf32, #tpu.memory_space<vmem>> -> memref<128x32xf32, #tpu.memory_space<vmem>>
      %dma_start3A_24 = arith.constant 0 : i32
      %dma_start3A_25 = tpu.memref_slice %arg7[%dma_start3A_24] : memref<1280xi32, #tpu.memory_space<vmem>> -> memref<128xi32, #tpu.memory_space<vmem>>
      %dma_start3A_26 = arith.constant 0 : i32
      %dma_start3A_27 = arith.constant 0 : i32
      %dma_start3A_28 = tpu.memref_slice %arg2[%dma_start3A_26, %dma_start3A_27] : memref<50000x32xf32, #tpu.memory_space<hbm>> -> memref<50000x32xf32, #tpu.memory_space<hbm>>
      tpu.enqueue_indirect_dma source(%dma_start3A_28 : memref<50000x32xf32, #tpu.memory_space<hbm>>) target(%dma_start3A_23 : memref<128x32xf32, #tpu.memory_space<vmem>>) offsets(%dma_start3A_25 : memref<128xi32, #tpu.memory_space<vmem>>) semaphore(%arg10 : memref<!tpu.dma_semaphore, #tpu.memory_space<semaphore_mem>>)
      %dma_start3A_29 = arith.constant 0 : i32
      %dma_start3A_30 = arith.constant 0 : i32
      %dma_start3A_31 = tpu.memref_slice %arg9[%dma_start3A_29, %dma_start3A_30] : memref<1280x16xf32, #tpu.memory_space<vmem>> -> memref<128x16xf32, #tpu.memory_space<vmem>>
      %dma_start3A_32 = arith.constant 0 : i32
      %dma_start3A_33 = tpu.memref_slice %arg7[%dma_start3A_32] : memref<1280xi32, #tpu.memory_space<vmem>> -> memref<128xi32, #tpu.memory_space<vmem>>
      %dma_start3A_34 = arith.constant 0 : i32
      %dma_start3A_35 = arith.constant 0 : i32
      %dma_start3A_36 = tpu.memref_slice %arg3[%dma_start3A_34, %dma_start3A_35] : memref<50000x16xf32, #tpu.memory_space<hbm>> -> memref<50000x16xf32, #tpu.memory_space<hbm>>
      tpu.enqueue_indirect_dma source(%dma_start3A_36 : memref<50000x16xf32, #tpu.memory_space<hbm>>) target(%dma_start3A_31 : memref<128x16xf32, #tpu.memory_space<vmem>>) offsets(%dma_start3A_33 : memref<128xi32, #tpu.memory_space<vmem>>) semaphore(%arg11 : memref<!tpu.dma_semaphore, #tpu.memory_space<semaphore_mem>>)
      %dma_start3A_37 = arith.constant 128 : i32
      %dma_start3A_38 = arith.constant 0 : i32
      %dma_start3A_39 = tpu.memref_slice %arg8[%dma_start3A_37, %dma_start3A_38] : memref<1280x32xf32, #tpu.memory_space<vmem>> -> memref<128x32xf32, #tpu.memory_space<vmem>>
      %dma_start3A_40 = arith.constant 128 : i32
      %dma_start3A_41 = tpu.memref_slice %arg7[%dma_start3A_40] : memref<1280xi32, #tpu.memory_space<vmem>> -> memref<128xi32, #tpu.memory_space<vmem>>
      %dma_start3A_42 = arith.constant 0 : i32
      %dma_start3A_43 = arith.constant 0 : i32
      %dma_start3A_44 = tpu.memref_slice %arg2[%dma_start3A_42, %dma_start3A_43] : memref<50000x32xf32, #tpu.memory_space<hbm>> -> memref<50000x32xf32, #tpu.memory_space<hbm>>
      tpu.enqueue_indirect_dma source(%dma_start3A_44 : memref<50000x32xf32, #tpu.memory_space<hbm>>) target(%dma_start3A_39 : memref<128x32xf32, #tpu.memory_space<vmem>>) offsets(%dma_start3A_41 : memref<128xi32, #tpu.memory_space<vmem>>) semaphore(%arg10 : memref<!tpu.dma_semaphore, #tpu.memory_space<semaphore_mem>>)
      %dma_start3A_45 = arith.constant 128 : i32
      %dma_start3A_46 = arith.constant 0 : i32
      %dma_start3A_47 = tpu.memref_slice %arg9[%dma_start3A_45, %dma_start3A_46] : memref<1280x16xf32, #tpu.memory_space<vmem>> -> memref<128x16xf32, #tpu.memory_space<vmem>>
      %dma_start3A_48 = arith.constant 128 : i32
      %dma_start3A_49 = tpu.memref_slice %arg7[%dma_start3A_48] : memref<1280xi32, #tpu.memory_space<vmem>> -> memref<128xi32, #tpu.memory_space<vmem>>
      %dma_start3A_50 = arith.constant 0 : i32
      %dma_start3A_51 = arith.constant 0 : i32
      %dma_start3A_52 = tpu.memref_slice %arg3[%dma_start3A_50, %dma_start3A_51] : memref<50000x16xf32, #tpu.memory_space<hbm>> -> memref<50000x16xf32, #tpu.memory_space<hbm>>
      tpu.enqueue_indirect_dma source(%dma_start3A_52 : memref<50000x16xf32, #tpu.memory_space<hbm>>) target(%dma_start3A_47 : memref<128x16xf32, #tpu.memory_space<vmem>>) offsets(%dma_start3A_49 : memref<128xi32, #tpu.memory_space<vmem>>) semaphore(%arg11 : memref<!tpu.dma_semaphore, #tpu.memory_space<semaphore_mem>>)
      %dma_start3A_53 = arith.constant 256 : i32
      %dma_start3A_54 = arith.constant 0 : i32
      %dma_start3A_55 = tpu.memref_slice %arg8[%dma_start3A_53, %dma_start3A_54] : memref<1280x32xf32, #tpu.memory_space<vmem>> -> memref<128x32xf32, #tpu.memory_space<vmem>>
      %dma_start3A_56 = arith.constant 256 : i32
      %dma_start3A_57 = tpu.memref_slice %arg7[%dma_start3A_56] : memref<1280xi32, #tpu.memory_space<vmem>> -> memref<128xi32, #tpu.memory_space<vmem>>
      %dma_start3A_58 = arith.constant 0 : i32
      %dma_start3A_59 = arith.constant 0 : i32
      %dma_start3A_60 = tpu.memref_slice %arg2[%dma_start3A_58, %dma_start3A_59] : memref<50000x32xf32, #tpu.memory_space<hbm>> -> memref<50000x32xf32, #tpu.memory_space<hbm>>
      tpu.enqueue_indirect_dma source(%dma_start3A_60 : memref<50000x32xf32, #tpu.memory_space<hbm>>) target(%dma_start3A_55 : memref<128x32xf32, #tpu.memory_space<vmem>>) offsets(%dma_start3A_57 : memref<128xi32, #tpu.memory_space<vmem>>) semaphore(%arg10 : memref<!tpu.dma_semaphore, #tpu.memory_space<semaphore_mem>>)
      %dma_start3A_61 = arith.constant 256 : i32
      %dma_start3A_62 = arith.constant 0 : i32
      %dma_start3A_63 = tpu.memref_slice %arg9[%dma_start3A_61, %dma_start3A_62] : memref<1280x16xf32, #tpu.memory_space<vmem>> -> memref<128x16xf32, #tpu.memory_space<vmem>>
      %dma_start3A_64 = arith.constant 256 : i32
      %dma_start3A_65 = tpu.memref_slice %arg7[%dma_start3A_64] : memref<1280xi32, #tpu.memory_space<vmem>> -> memref<128xi32, #tpu.memory_space<vmem>>
      %dma_start3A_66 = arith.constant 0 : i32
      %dma_start3A_67 = arith.constant 0 : i32
      %dma_start3A_68 = tpu.memref_slice %arg3[%dma_start3A_66, %dma_start3A_67] : memref<50000x16xf32, #tpu.memory_space<hbm>> -> memref<50000x16xf32, #tpu.memory_space<hbm>>
      tpu.enqueue_indirect_dma source(%dma_start3A_68 : memref<50000x16xf32, #tpu.memory_space<hbm>>) target(%dma_start3A_63 : memref<128x16xf32, #tpu.memory_space<vmem>>) offsets(%dma_start3A_65 : memref<128xi32, #tpu.memory_space<vmem>>) semaphore(%arg11 : memref<!tpu.dma_semaphore, #tpu.memory_space<semaphore_mem>>)
      %dma_start3A_69 = arith.constant 384 : i32
      %dma_start3A_70 = arith.constant 0 : i32
      %dma_start3A_71 = tpu.memref_slice %arg8[%dma_start3A_69, %dma_start3A_70] : memref<1280x32xf32, #tpu.memory_space<vmem>> -> memref<128x32xf32, #tpu.memory_space<vmem>>
      %dma_start3A_72 = arith.constant 384 : i32
      %dma_start3A_73 = tpu.memref_slice %arg7[%dma_start3A_72] : memref<1280xi32, #tpu.memory_space<vmem>> -> memref<128xi32, #tpu.memory_space<vmem>>
      %dma_start3A_74 = arith.constant 0 : i32
      %dma_start3A_75 = arith.constant 0 : i32
      %dma_start3A_76 = tpu.memref_slice %arg2[%dma_start3A_74, %dma_start3A_75] : memref<50000x32xf32, #tpu.memory_space<hbm>> -> memref<50000x32xf32, #tpu.memory_space<hbm>>
      tpu.enqueue_indirect_dma source(%dma_start3A_76 : memref<50000x32xf32, #tpu.memory_space<hbm>>) target(%dma_start3A_71 : memref<128x32xf32, #tpu.memory_space<vmem>>) offsets(%dma_start3A_73 : memref<128xi32, #tpu.memory_space<vmem>>) semaphore(%arg10 : memref<!tpu.dma_semaphore, #tpu.memory_space<semaphore_mem>>)
      %dma_start3A_77 = arith.constant 384 : i32
      %dma_start3A_78 = arith.constant 0 : i32
      %dma_start3A_79 = tpu.memref_slice %arg9[%dma_start3A_77, %dma_start3A_78] : memref<1280x16xf32, #tpu.memory_space<vmem>> -> memref<128x16xf32, #tpu.memory_space<vmem>>
      %dma_start3A_80 = arith.constant 384 : i32
      %dma_start3A_81 = tpu.memref_slice %arg7[%dma_start3A_80] : memref<1280xi32, #tpu.memory_space<vmem>> -> memref<128xi32, #tpu.memory_space<vmem>>
      %dma_start3A_82 = arith.constant 0 : i32
      %dma_start3A_83 = arith.constant 0 : i32
      %dma_start3A_84 = tpu.memref_slice %arg3[%dma_start3A_82, %dma_start3A_83] : memref<50000x16xf32, #tpu.memory_space<hbm>> -> memref<50000x16xf32, #tpu.memory_space<hbm>>
      tpu.enqueue_indirect_dma source(%dma_start3A_84 : memref<50000x16xf32, #tpu.memory_space<hbm>>) target(%dma_start3A_79 : memref<128x16xf32, #tpu.memory_space<vmem>>) offsets(%dma_start3A_81 : memref<128xi32, #tpu.memory_space<vmem>>) semaphore(%arg11 : memref<!tpu.dma_semaphore, #tpu.memory_space<semaphore_mem>>)
      %dma_start3A_85 = arith.constant 512 : i32
      %dma_start3A_86 = arith.constant 0 : i32
      %dma_start3A_87 = tpu.memref_slice %arg8[%dma_start3A_85, %dma_start3A_86] : memref<1280x32xf32, #tpu.memory_space<vmem>> -> memref<128x32xf32, #tpu.memory_space<vmem>>
      %dma_start3A_88 = arith.constant 512 : i32
      %dma_start3A_89 = tpu.memref_slice %arg7[%dma_start3A_88] : memref<1280xi32, #tpu.memory_space<vmem>> -> memref<128xi32, #tpu.memory_space<vmem>>
      %dma_start3A_90 = arith.constant 0 : i32
      %dma_start3A_91 = arith.constant 0 : i32
      %dma_start3A_92 = tpu.memref_slice %arg2[%dma_start3A_90, %dma_start3A_91] : memref<50000x32xf32, #tpu.memory_space<hbm>> -> memref<50000x32xf32, #tpu.memory_space<hbm>>
      tpu.enqueue_indirect_dma source(%dma_start3A_92 : memref<50000x32xf32, #tpu.memory_space<hbm>>) target(%dma_start3A_87 : memref<128x32xf32, #tpu.memory_space<vmem>>) offsets(%dma_start3A_89 : memref<128xi32, #tpu.memory_space<vmem>>) semaphore(%arg10 : memref<!tpu.dma_semaphore, #tpu.memory_space<semaphore_mem>>)
      %dma_start3A_93 = arith.constant 512 : i32
      %dma_start3A_94 = arith.constant 0 : i32
      %dma_start3A_95 = tpu.memref_slice %arg9[%dma_start3A_93, %dma_start3A_94] : memref<1280x16xf32, #tpu.memory_space<vmem>> -> memref<128x16xf32, #tpu.memory_space<vmem>>
      %dma_start3A_96 = arith.constant 512 : i32
      %dma_start3A_97 = tpu.memref_slice %arg7[%dma_start3A_96] : memref<1280xi32, #tpu.memory_space<vmem>> -> memref<128xi32, #tpu.memory_space<vmem>>
      %dma_start3A_98 = arith.constant 0 : i32
      %dma_start3A_99 = arith.constant 0 : i32
      %dma_start3A_100 = tpu.memref_slice %arg3[%dma_start3A_98, %dma_start3A_99] : memref<50000x16xf32, #tpu.memory_space<hbm>> -> memref<50000x16xf32, #tpu.memory_space<hbm>>
      tpu.enqueue_indirect_dma source(%dma_start3A_100 : memref<50000x16xf32, #tpu.memory_space<hbm>>) target(%dma_start3A_95 : memref<128x16xf32, #tpu.memory_space<vmem>>) offsets(%dma_start3A_97 : memref<128xi32, #tpu.memory_space<vmem>>) semaphore(%arg11 : memref<!tpu.dma_semaphore, #tpu.memory_space<semaphore_mem>>)
      %dma_start3A_101 = arith.constant 640 : i32
      %dma_start3A_102 = arith.constant 0 : i32
      %dma_start3A_103 = tpu.memref_slice %arg8[%dma_start3A_101, %dma_start3A_102] : memref<1280x32xf32, #tpu.memory_space<vmem>> -> memref<128x32xf32, #tpu.memory_space<vmem>>
      %dma_start3A_104 = arith.constant 640 : i32
      %dma_start3A_105 = tpu.memref_slice %arg7[%dma_start3A_104] : memref<1280xi32, #tpu.memory_space<vmem>> -> memref<128xi32, #tpu.memory_space<vmem>>
      %dma_start3A_106 = arith.constant 0 : i32
      %dma_start3A_107 = arith.constant 0 : i32
      %dma_start3A_108 = tpu.memref_slice %arg2[%dma_start3A_106, %dma_start3A_107] : memref<50000x32xf32, #tpu.memory_space<hbm>> -> memref<50000x32xf32, #tpu.memory_space<hbm>>
      tpu.enqueue_indirect_dma source(%dma_start3A_108 : memref<50000x32xf32, #tpu.memory_space<hbm>>) target(%dma_start3A_103 : memref<128x32xf32, #tpu.memory_space<vmem>>) offsets(%dma_start3A_105 : memref<128xi32, #tpu.memory_space<vmem>>) semaphore(%arg10 : memref<!tpu.dma_semaphore, #tpu.memory_space<semaphore_mem>>)
      %dma_start3A_109 = arith.constant 640 : i32
      %dma_start3A_110 = arith.constant 0 : i32
      %dma_start3A_111 = tpu.memref_slice %arg9[%dma_start3A_109, %dma_start3A_110] : memref<1280x16xf32, #tpu.memory_space<vmem>> -> memref<128x16xf32, #tpu.memory_space<vmem>>
      %dma_start3A_112 = arith.constant 640 : i32
      %dma_start3A_113 = tpu.memref_slice %arg7[%dma_start3A_112] : memref<1280xi32, #tpu.memory_space<vmem>> -> memref<128xi32, #tpu.memory_space<vmem>>
      %dma_start3A_114 = arith.constant 0 : i32
      %dma_start3A_115 = arith.constant 0 : i32
      %dma_start3A_116 = tpu.memref_slice %arg3[%dma_start3A_114, %dma_start3A_115] : memref<50000x16xf32, #tpu.memory_space<hbm>> -> memref<50000x16xf32, #tpu.memory_space<hbm>>
      tpu.enqueue_indirect_dma source(%dma_start3A_116 : memref<50000x16xf32, #tpu.memory_space<hbm>>) target(%dma_start3A_111 : memref<128x16xf32, #tpu.memory_space<vmem>>) offsets(%dma_start3A_113 : memref<128xi32, #tpu.memory_space<vmem>>) semaphore(%arg11 : memref<!tpu.dma_semaphore, #tpu.memory_space<semaphore_mem>>)
      %dma_start3A_117 = arith.constant 768 : i32
      %dma_start3A_118 = arith.constant 0 : i32
      %dma_start3A_119 = tpu.memref_slice %arg8[%dma_start3A_117, %dma_start3A_118] : memref<1280x32xf32, #tpu.memory_space<vmem>> -> memref<128x32xf32, #tpu.memory_space<vmem>>
      %dma_start3A_120 = arith.constant 768 : i32
      %dma_start3A_121 = tpu.memref_slice %arg7[%dma_start3A_120] : memref<1280xi32, #tpu.memory_space<vmem>> -> memref<128xi32, #tpu.memory_space<vmem>>
      %dma_start3A_122 = arith.constant 0 : i32
      %dma_start3A_123 = arith.constant 0 : i32
      %dma_start3A_124 = tpu.memref_slice %arg2[%dma_start3A_122, %dma_start3A_123] : memref<50000x32xf32, #tpu.memory_space<hbm>> -> memref<50000x32xf32, #tpu.memory_space<hbm>>
      tpu.enqueue_indirect_dma source(%dma_start3A_124 : memref<50000x32xf32, #tpu.memory_space<hbm>>) target(%dma_start3A_119 : memref<128x32xf32, #tpu.memory_space<vmem>>) offsets(%dma_start3A_121 : memref<128xi32, #tpu.memory_space<vmem>>) semaphore(%arg10 : memref<!tpu.dma_semaphore, #tpu.memory_space<semaphore_mem>>)
      %dma_start3A_125 = arith.constant 768 : i32
      %dma_start3A_126 = arith.constant 0 : i32
      %dma_start3A_127 = tpu.memref_slice %arg9[%dma_start3A_125, %dma_start3A_126] : memref<1280x16xf32, #tpu.memory_space<vmem>> -> memref<128x16xf32, #tpu.memory_space<vmem>>
      %dma_start3A_128 = arith.constant 768 : i32
      %dma_start3A_129 = tpu.memref_slice %arg7[%dma_start3A_128] : memref<1280xi32, #tpu.memory_space<vmem>> -> memref<128xi32, #tpu.memory_space<vmem>>
      %dma_start3A_130 = arith.constant 0 : i32
      %dma_start3A_131 = arith.constant 0 : i32
      %dma_start3A_132 = tpu.memref_slice %arg3[%dma_start3A_130, %dma_start3A_131] : memref<50000x16xf32, #tpu.memory_space<hbm>> -> memref<50000x16xf32, #tpu.memory_space<hbm>>
      tpu.enqueue_indirect_dma source(%dma_start3A_132 : memref<50000x16xf32, #tpu.memory_space<hbm>>) target(%dma_start3A_127 : memref<128x16xf32, #tpu.memory_space<vmem>>) offsets(%dma_start3A_129 : memref<128xi32, #tpu.memory_space<vmem>>) semaphore(%arg11 : memref<!tpu.dma_semaphore, #tpu.memory_space<semaphore_mem>>)
      %dma_start3A_133 = arith.constant 896 : i32
      %dma_start3A_134 = arith.constant 0 : i32
      %dma_start3A_135 = tpu.memref_slice %arg8[%dma_start3A_133, %dma_start3A_134] : memref<1280x32xf32, #tpu.memory_space<vmem>> -> memref<128x32xf32, #tpu.memory_space<vmem>>
      %dma_start3A_136 = arith.constant 896 : i32
      %dma_start3A_137 = tpu.memref_slice %arg7[%dma_start3A_136] : memref<1280xi32, #tpu.memory_space<vmem>> -> memref<128xi32, #tpu.memory_space<vmem>>
      %dma_start3A_138 = arith.constant 0 : i32
      %dma_start3A_139 = arith.constant 0 : i32
      %dma_start3A_140 = tpu.memref_slice %arg2[%dma_start3A_138, %dma_start3A_139] : memref<50000x32xf32, #tpu.memory_space<hbm>> -> memref<50000x32xf32, #tpu.memory_space<hbm>>
      tpu.enqueue_indirect_dma source(%dma_start3A_140 : memref<50000x32xf32, #tpu.memory_space<hbm>>) target(%dma_start3A_135 : memref<128x32xf32, #tpu.memory_space<vmem>>) offsets(%dma_start3A_137 : memref<128xi32, #tpu.memory_space<vmem>>) semaphore(%arg10 : memref<!tpu.dma_semaphore, #tpu.memory_space<semaphore_mem>>)
      %dma_start3A_141 = arith.constant 896 : i32
      %dma_start3A_142 = arith.constant 0 : i32
      %dma_start3A_143 = tpu.memref_slice %arg9[%dma_start3A_141, %dma_start3A_142] : memref<1280x16xf32, #tpu.memory_space<vmem>> -> memref<128x16xf32, #tpu.memory_space<vmem>>
      %dma_start3A_144 = arith.constant 896 : i32
      %dma_start3A_145 = tpu.memref_slice %arg7[%dma_start3A_144] : memref<1280xi32, #tpu.memory_space<vmem>> -> memref<128xi32, #tpu.memory_space<vmem>>
      %dma_start3A_146 = arith.constant 0 : i32
      %dma_start3A_147 = arith.constant 0 : i32
      %dma_start3A_148 = tpu.memref_slice %arg3[%dma_start3A_146, %dma_start3A_147] : memref<50000x16xf32, #tpu.memory_space<hbm>> -> memref<50000x16xf32, #tpu.memory_space<hbm>>
      tpu.enqueue_indirect_dma source(%dma_start3A_148 : memref<50000x16xf32, #tpu.memory_space<hbm>>) target(%dma_start3A_143 : memref<128x16xf32, #tpu.memory_space<vmem>>) offsets(%dma_start3A_145 : memref<128xi32, #tpu.memory_space<vmem>>) semaphore(%arg11 : memref<!tpu.dma_semaphore, #tpu.memory_space<semaphore_mem>>)
      %dma_start3A_149 = arith.constant 1024 : i32
      %dma_start3A_150 = arith.constant 0 : i32
      %dma_start3A_151 = tpu.memref_slice %arg8[%dma_start3A_149, %dma_start3A_150] : memref<1280x32xf32, #tpu.memory_space<vmem>> -> memref<128x32xf32, #tpu.memory_space<vmem>>
      %dma_start3A_152 = arith.constant 1024 : i32
      %dma_start3A_153 = tpu.memref_slice %arg7[%dma_start3A_152] : memref<1280xi32, #tpu.memory_space<vmem>> -> memref<128xi32, #tpu.memory_space<vmem>>
      %dma_start3A_154 = arith.constant 0 : i32
      %dma_start3A_155 = arith.constant 0 : i32
      %dma_start3A_156 = tpu.memref_slice %arg2[%dma_start3A_154, %dma_start3A_155] : memref<50000x32xf32, #tpu.memory_space<hbm>> -> memref<50000x32xf32, #tpu.memory_space<hbm>>
      tpu.enqueue_indirect_dma source(%dma_start3A_156 : memref<50000x32xf32, #tpu.memory_space<hbm>>) target(%dma_start3A_151 : memref<128x32xf32, #tpu.memory_space<vmem>>) offsets(%dma_start3A_153 : memref<128xi32, #tpu.memory_space<vmem>>) semaphore(%arg10 : memref<!tpu.dma_semaphore, #tpu.memory_space<semaphore_mem>>)
      %dma_start3A_157 = arith.constant 1024 : i32
      %dma_start3A_158 = arith.constant 0 : i32
      %dma_start3A_159 = tpu.memref_slice %arg9[%dma_start3A_157, %dma_start3A_158] : memref<1280x16xf32, #tpu.memory_space<vmem>> -> memref<128x16xf32, #tpu.memory_space<vmem>>
      %dma_start3A_160 = arith.constant 1024 : i32
      %dma_start3A_161 = tpu.memref_slice %arg7[%dma_start3A_160] : memref<1280xi32, #tpu.memory_space<vmem>> -> memref<128xi32, #tpu.memory_space<vmem>>
      %dma_start3A_162 = arith.constant 0 : i32
      %dma_start3A_163 = arith.constant 0 : i32
      %dma_start3A_164 = tpu.memref_slice %arg3[%dma_start3A_162, %dma_start3A_163] : memref<50000x16xf32, #tpu.memory_space<hbm>> -> memref<50000x16xf32, #tpu.memory_space<hbm>>
      tpu.enqueue_indirect_dma source(%dma_start3A_164 : memref<50000x16xf32, #tpu.memory_space<hbm>>) target(%dma_start3A_159 : memref<128x16xf32, #tpu.memory_space<vmem>>) offsets(%dma_start3A_161 : memref<128xi32, #tpu.memory_space<vmem>>) semaphore(%arg11 : memref<!tpu.dma_semaphore, #tpu.memory_space<semaphore_mem>>)
      %dma_start3A_165 = arith.constant 1152 : i32
      %dma_start3A_166 = arith.constant 0 : i32
      %dma_start3A_167 = tpu.memref_slice %arg8[%dma_start3A_165, %dma_start3A_166] : memref<1280x32xf32, #tpu.memory_space<vmem>> -> memref<128x32xf32, #tpu.memory_space<vmem>>
      %dma_start3A_168 = arith.constant 1152 : i32
      %dma_start3A_169 = tpu.memref_slice %arg7[%dma_start3A_168] : memref<1280xi32, #tpu.memory_space<vmem>> -> memref<128xi32, #tpu.memory_space<vmem>>
      %dma_start3A_170 = arith.constant 0 : i32
      %dma_start3A_171 = arith.constant 0 : i32
      %dma_start3A_172 = tpu.memref_slice %arg2[%dma_start3A_170, %dma_start3A_171] : memref<50000x32xf32, #tpu.memory_space<hbm>> -> memref<50000x32xf32, #tpu.memory_space<hbm>>
      tpu.enqueue_indirect_dma source(%dma_start3A_172 : memref<50000x32xf32, #tpu.memory_space<hbm>>) target(%dma_start3A_167 : memref<128x32xf32, #tpu.memory_space<vmem>>) offsets(%dma_start3A_169 : memref<128xi32, #tpu.memory_space<vmem>>) semaphore(%arg10 : memref<!tpu.dma_semaphore, #tpu.memory_space<semaphore_mem>>)
      %dma_start3A_173 = arith.constant 1152 : i32
      %dma_start3A_174 = arith.constant 0 : i32
      %dma_start3A_175 = tpu.memref_slice %arg9[%dma_start3A_173, %dma_start3A_174] : memref<1280x16xf32, #tpu.memory_space<vmem>> -> memref<128x16xf32, #tpu.memory_space<vmem>>
      %dma_start3A_176 = arith.constant 1152 : i32
      %dma_start3A_177 = tpu.memref_slice %arg7[%dma_start3A_176] : memref<1280xi32, #tpu.memory_space<vmem>> -> memref<128xi32, #tpu.memory_space<vmem>>
      %dma_start3A_178 = arith.constant 0 : i32
      %dma_start3A_179 = arith.constant 0 : i32
      %dma_start3A_180 = tpu.memref_slice %arg3[%dma_start3A_178, %dma_start3A_179] : memref<50000x16xf32, #tpu.memory_space<hbm>> -> memref<50000x16xf32, #tpu.memory_space<hbm>>
      tpu.enqueue_indirect_dma source(%dma_start3A_180 : memref<50000x16xf32, #tpu.memory_space<hbm>>) target(%dma_start3A_175 : memref<128x16xf32, #tpu.memory_space<vmem>>) offsets(%dma_start3A_177 : memref<128xi32, #tpu.memory_space<vmem>>) semaphore(%arg11 : memref<!tpu.dma_semaphore, #tpu.memory_space<semaphore_mem>>)
      %dma_wait3A = arith.constant 0 : i32
      %dma_wait3A_181 = arith.constant 0 : i32
      %dma_wait3A_182 = tpu.memref_slice %arg8[%dma_wait3A, %dma_wait3A_181] : memref<1280x32xf32, #tpu.memory_space<vmem>> -> memref<128x32xf32, #tpu.memory_space<vmem>>
      %dma_wait3A_183 = arith.constant 0 : i32
      %dma_wait3A_184 = tpu.memref_slice %arg7[%dma_wait3A_183] : memref<1280xi32, #tpu.memory_space<vmem>> -> memref<128xi32, #tpu.memory_space<vmem>>
      %dma_wait3A_185 = arith.constant 0 : i32
      %dma_wait3A_186 = arith.constant 0 : i32
      %dma_wait3A_187 = tpu.memref_slice %arg2[%dma_wait3A_185, %dma_wait3A_186] : memref<50000x32xf32, #tpu.memory_space<hbm>> -> memref<50000x32xf32, #tpu.memory_space<hbm>>
      tpu.wait_indirect_dma semaphore(%arg10 : memref<!tpu.dma_semaphore, #tpu.memory_space<semaphore_mem>>) src(%dma_wait3A_187 : memref<50000x32xf32, #tpu.memory_space<hbm>>) dst(%dma_wait3A_182 : memref<128x32xf32, #tpu.memory_space<vmem>>)
      %dma_wait3A_188 = arith.constant 0 : i32
      %dma_wait3A_189 = arith.constant 0 : i32
      %dma_wait3A_190 = tpu.memref_slice %arg9[%dma_wait3A_188, %dma_wait3A_189] : memref<1280x16xf32, #tpu.memory_space<vmem>> -> memref<128x16xf32, #tpu.memory_space<vmem>>
      %dma_wait3A_191 = arith.constant 0 : i32
      %dma_wait3A_192 = tpu.memref_slice %arg7[%dma_wait3A_191] : memref<1280xi32, #tpu.memory_space<vmem>> -> memref<128xi32, #tpu.memory_space<vmem>>
      %dma_wait3A_193 = arith.constant 0 : i32
      %dma_wait3A_194 = arith.constant 0 : i32
      %dma_wait3A_195 = tpu.memref_slice %arg3[%dma_wait3A_193, %dma_wait3A_194] : memref<50000x16xf32, #tpu.memory_space<hbm>> -> memref<50000x16xf32, #tpu.memory_space<hbm>>
      tpu.wait_indirect_dma semaphore(%arg11 : memref<!tpu.dma_semaphore, #tpu.memory_space<semaphore_mem>>) src(%dma_wait3A_195 : memref<50000x16xf32, #tpu.memory_space<hbm>>) dst(%dma_wait3A_190 : memref<128x16xf32, #tpu.memory_space<vmem>>)
      %dma_wait3A_196 = arith.constant 128 : i32
      %dma_wait3A_197 = arith.constant 0 : i32
      %dma_wait3A_198 = tpu.memref_slice %arg8[%dma_wait3A_196, %dma_wait3A_197] : memref<1280x32xf32, #tpu.memory_space<vmem>> -> memref<128x32xf32, #tpu.memory_space<vmem>>
      %dma_wait3A_199 = arith.constant 128 : i32
      %dma_wait3A_200 = tpu.memref_slice %arg7[%dma_wait3A_199] : memref<1280xi32, #tpu.memory_space<vmem>> -> memref<128xi32, #tpu.memory_space<vmem>>
      %dma_wait3A_201 = arith.constant 0 : i32
      %dma_wait3A_202 = arith.constant 0 : i32
      %dma_wait3A_203 = tpu.memref_slice %arg2[%dma_wait3A_201, %dma_wait3A_202] : memref<50000x32xf32, #tpu.memory_space<hbm>> -> memref<50000x32xf32, #tpu.memory_space<hbm>>
      tpu.wait_indirect_dma semaphore(%arg10 : memref<!tpu.dma_semaphore, #tpu.memory_space<semaphore_mem>>) src(%dma_wait3A_203 : memref<50000x32xf32, #tpu.memory_space<hbm>>) dst(%dma_wait3A_198 : memref<128x32xf32, #tpu.memory_space<vmem>>)
      %dma_wait3A_204 = arith.constant 128 : i32
      %dma_wait3A_205 = arith.constant 0 : i32
      %dma_wait3A_206 = tpu.memref_slice %arg9[%dma_wait3A_204, %dma_wait3A_205] : memref<1280x16xf32, #tpu.memory_space<vmem>> -> memref<128x16xf32, #tpu.memory_space<vmem>>
      %dma_wait3A_207 = arith.constant 128 : i32
      %dma_wait3A_208 = tpu.memref_slice %arg7[%dma_wait3A_207] : memref<1280xi32, #tpu.memory_space<vmem>> -> memref<128xi32, #tpu.memory_space<vmem>>
      %dma_wait3A_209 = arith.constant 0 : i32
      %dma_wait3A_210 = arith.constant 0 : i32
      %dma_wait3A_211 = tpu.memref_slice %arg3[%dma_wait3A_209, %dma_wait3A_210] : memref<50000x16xf32, #tpu.memory_space<hbm>> -> memref<50000x16xf32, #tpu.memory_space<hbm>>
      tpu.wait_indirect_dma semaphore(%arg11 : memref<!tpu.dma_semaphore, #tpu.memory_space<semaphore_mem>>) src(%dma_wait3A_211 : memref<50000x16xf32, #tpu.memory_space<hbm>>) dst(%dma_wait3A_206 : memref<128x16xf32, #tpu.memory_space<vmem>>)
      %dma_wait3A_212 = arith.constant 256 : i32
      %dma_wait3A_213 = arith.constant 0 : i32
      %dma_wait3A_214 = tpu.memref_slice %arg8[%dma_wait3A_212, %dma_wait3A_213] : memref<1280x32xf32, #tpu.memory_space<vmem>> -> memref<128x32xf32, #tpu.memory_space<vmem>>
      %dma_wait3A_215 = arith.constant 256 : i32
      %dma_wait3A_216 = tpu.memref_slice %arg7[%dma_wait3A_215] : memref<1280xi32, #tpu.memory_space<vmem>> -> memref<128xi32, #tpu.memory_space<vmem>>
      %dma_wait3A_217 = arith.constant 0 : i32
      %dma_wait3A_218 = arith.constant 0 : i32
      %dma_wait3A_219 = tpu.memref_slice %arg2[%dma_wait3A_217, %dma_wait3A_218] : memref<50000x32xf32, #tpu.memory_space<hbm>> -> memref<50000x32xf32, #tpu.memory_space<hbm>>
      tpu.wait_indirect_dma semaphore(%arg10 : memref<!tpu.dma_semaphore, #tpu.memory_space<semaphore_mem>>) src(%dma_wait3A_219 : memref<50000x32xf32, #tpu.memory_space<hbm>>) dst(%dma_wait3A_214 : memref<128x32xf32, #tpu.memory_space<vmem>>)
      %dma_wait3A_220 = arith.constant 256 : i32
      %dma_wait3A_221 = arith.constant 0 : i32
      %dma_wait3A_222 = tpu.memref_slice %arg9[%dma_wait3A_220, %dma_wait3A_221] : memref<1280x16xf32, #tpu.memory_space<vmem>> -> memref<128x16xf32, #tpu.memory_space<vmem>>
      %dma_wait3A_223 = arith.constant 256 : i32
      %dma_wait3A_224 = tpu.memref_slice %arg7[%dma_wait3A_223] : memref<1280xi32, #tpu.memory_space<vmem>> -> memref<128xi32, #tpu.memory_space<vmem>>
      %dma_wait3A_225 = arith.constant 0 : i32
      %dma_wait3A_226 = arith.constant 0 : i32
      %dma_wait3A_227 = tpu.memref_slice %arg3[%dma_wait3A_225, %dma_wait3A_226] : memref<50000x16xf32, #tpu.memory_space<hbm>> -> memref<50000x16xf32, #tpu.memory_space<hbm>>
      tpu.wait_indirect_dma semaphore(%arg11 : memref<!tpu.dma_semaphore, #tpu.memory_space<semaphore_mem>>) src(%dma_wait3A_227 : memref<50000x16xf32, #tpu.memory_space<hbm>>) dst(%dma_wait3A_222 : memref<128x16xf32, #tpu.memory_space<vmem>>)
      %dma_wait3A_228 = arith.constant 384 : i32
      %dma_wait3A_229 = arith.constant 0 : i32
      %dma_wait3A_230 = tpu.memref_slice %arg8[%dma_wait3A_228, %dma_wait3A_229] : memref<1280x32xf32, #tpu.memory_space<vmem>> -> memref<128x32xf32, #tpu.memory_space<vmem>>
      %dma_wait3A_231 = arith.constant 384 : i32
      %dma_wait3A_232 = tpu.memref_slice %arg7[%dma_wait3A_231] : memref<1280xi32, #tpu.memory_space<vmem>> -> memref<128xi32, #tpu.memory_space<vmem>>
      %dma_wait3A_233 = arith.constant 0 : i32
      %dma_wait3A_234 = arith.constant 0 : i32
      %dma_wait3A_235 = tpu.memref_slice %arg2[%dma_wait3A_233, %dma_wait3A_234] : memref<50000x32xf32, #tpu.memory_space<hbm>> -> memref<50000x32xf32, #tpu.memory_space<hbm>>
      tpu.wait_indirect_dma semaphore(%arg10 : memref<!tpu.dma_semaphore, #tpu.memory_space<semaphore_mem>>) src(%dma_wait3A_235 : memref<50000x32xf32, #tpu.memory_space<hbm>>) dst(%dma_wait3A_230 : memref<128x32xf32, #tpu.memory_space<vmem>>)
      %dma_wait3A_236 = arith.constant 384 : i32
      %dma_wait3A_237 = arith.constant 0 : i32
      %dma_wait3A_238 = tpu.memref_slice %arg9[%dma_wait3A_236, %dma_wait3A_237] : memref<1280x16xf32, #tpu.memory_space<vmem>> -> memref<128x16xf32, #tpu.memory_space<vmem>>
      %dma_wait3A_239 = arith.constant 384 : i32
      %dma_wait3A_240 = tpu.memref_slice %arg7[%dma_wait3A_239] : memref<1280xi32, #tpu.memory_space<vmem>> -> memref<128xi32, #tpu.memory_space<vmem>>
      %dma_wait3A_241 = arith.constant 0 : i32
      %dma_wait3A_242 = arith.constant 0 : i32
      %dma_wait3A_243 = tpu.memref_slice %arg3[%dma_wait3A_241, %dma_wait3A_242] : memref<50000x16xf32, #tpu.memory_space<hbm>> -> memref<50000x16xf32, #tpu.memory_space<hbm>>
      tpu.wait_indirect_dma semaphore(%arg11 : memref<!tpu.dma_semaphore, #tpu.memory_space<semaphore_mem>>) src(%dma_wait3A_243 : memref<50000x16xf32, #tpu.memory_space<hbm>>) dst(%dma_wait3A_238 : memref<128x16xf32, #tpu.memory_space<vmem>>)
      %dma_wait3A_244 = arith.constant 512 : i32
      %dma_wait3A_245 = arith.constant 0 : i32
      %dma_wait3A_246 = tpu.memref_slice %arg8[%dma_wait3A_244, %dma_wait3A_245] : memref<1280x32xf32, #tpu.memory_space<vmem>> -> memref<128x32xf32, #tpu.memory_space<vmem>>
      %dma_wait3A_247 = arith.constant 512 : i32
      %dma_wait3A_248 = tpu.memref_slice %arg7[%dma_wait3A_247] : memref<1280xi32, #tpu.memory_space<vmem>> -> memref<128xi32, #tpu.memory_space<vmem>>
      %dma_wait3A_249 = arith.constant 0 : i32
      %dma_wait3A_250 = arith.constant 0 : i32
      %dma_wait3A_251 = tpu.memref_slice %arg2[%dma_wait3A_249, %dma_wait3A_250] : memref<50000x32xf32, #tpu.memory_space<hbm>> -> memref<50000x32xf32, #tpu.memory_space<hbm>>
      tpu.wait_indirect_dma semaphore(%arg10 : memref<!tpu.dma_semaphore, #tpu.memory_space<semaphore_mem>>) src(%dma_wait3A_251 : memref<50000x32xf32, #tpu.memory_space<hbm>>) dst(%dma_wait3A_246 : memref<128x32xf32, #tpu.memory_space<vmem>>)
      %dma_wait3A_252 = arith.constant 512 : i32
      %dma_wait3A_253 = arith.constant 0 : i32
      %dma_wait3A_254 = tpu.memref_slice %arg9[%dma_wait3A_252, %dma_wait3A_253] : memref<1280x16xf32, #tpu.memory_space<vmem>> -> memref<128x16xf32, #tpu.memory_space<vmem>>
      %dma_wait3A_255 = arith.constant 512 : i32
      %dma_wait3A_256 = tpu.memref_slice %arg7[%dma_wait3A_255] : memref<1280xi32, #tpu.memory_space<vmem>> -> memref<128xi32, #tpu.memory_space<vmem>>
      %dma_wait3A_257 = arith.constant 0 : i32
      %dma_wait3A_258 = arith.constant 0 : i32
      %dma_wait3A_259 = tpu.memref_slice %arg3[%dma_wait3A_257, %dma_wait3A_258] : memref<50000x16xf32, #tpu.memory_space<hbm>> -> memref<50000x16xf32, #tpu.memory_space<hbm>>
      tpu.wait_indirect_dma semaphore(%arg11 : memref<!tpu.dma_semaphore, #tpu.memory_space<semaphore_mem>>) src(%dma_wait3A_259 : memref<50000x16xf32, #tpu.memory_space<hbm>>) dst(%dma_wait3A_254 : memref<128x16xf32, #tpu.memory_space<vmem>>)
      %dma_wait3A_260 = arith.constant 640 : i32
      %dma_wait3A_261 = arith.constant 0 : i32
      %dma_wait3A_262 = tpu.memref_slice %arg8[%dma_wait3A_260, %dma_wait3A_261] : memref<1280x32xf32, #tpu.memory_space<vmem>> -> memref<128x32xf32, #tpu.memory_space<vmem>>
      %dma_wait3A_263 = arith.constant 640 : i32
      %dma_wait3A_264 = tpu.memref_slice %arg7[%dma_wait3A_263] : memref<1280xi32, #tpu.memory_space<vmem>> -> memref<128xi32, #tpu.memory_space<vmem>>
      %dma_wait3A_265 = arith.constant 0 : i32
      %dma_wait3A_266 = arith.constant 0 : i32
      %dma_wait3A_267 = tpu.memref_slice %arg2[%dma_wait3A_265, %dma_wait3A_266] : memref<50000x32xf32, #tpu.memory_space<hbm>> -> memref<50000x32xf32, #tpu.memory_space<hbm>>
      tpu.wait_indirect_dma semaphore(%arg10 : memref<!tpu.dma_semaphore, #tpu.memory_space<semaphore_mem>>) src(%dma_wait3A_267 : memref<50000x32xf32, #tpu.memory_space<hbm>>) dst(%dma_wait3A_262 : memref<128x32xf32, #tpu.memory_space<vmem>>)
      %dma_wait3A_268 = arith.constant 640 : i32
      %dma_wait3A_269 = arith.constant 0 : i32
      %dma_wait3A_270 = tpu.memref_slice %arg9[%dma_wait3A_268, %dma_wait3A_269] : memref<1280x16xf32, #tpu.memory_space<vmem>> -> memref<128x16xf32, #tpu.memory_space<vmem>>
      %dma_wait3A_271 = arith.constant 640 : i32
      %dma_wait3A_272 = tpu.memref_slice %arg7[%dma_wait3A_271] : memref<1280xi32, #tpu.memory_space<vmem>> -> memref<128xi32, #tpu.memory_space<vmem>>
      %dma_wait3A_273 = arith.constant 0 : i32
      %dma_wait3A_274 = arith.constant 0 : i32
      %dma_wait3A_275 = tpu.memref_slice %arg3[%dma_wait3A_273, %dma_wait3A_274] : memref<50000x16xf32, #tpu.memory_space<hbm>> -> memref<50000x16xf32, #tpu.memory_space<hbm>>
      tpu.wait_indirect_dma semaphore(%arg11 : memref<!tpu.dma_semaphore, #tpu.memory_space<semaphore_mem>>) src(%dma_wait3A_275 : memref<50000x16xf32, #tpu.memory_space<hbm>>) dst(%dma_wait3A_270 : memref<128x16xf32, #tpu.memory_space<vmem>>)
      %dma_wait3A_276 = arith.constant 768 : i32
      %dma_wait3A_277 = arith.constant 0 : i32
      %dma_wait3A_278 = tpu.memref_slice %arg8[%dma_wait3A_276, %dma_wait3A_277] : memref<1280x32xf32, #tpu.memory_space<vmem>> -> memref<128x32xf32, #tpu.memory_space<vmem>>
      %dma_wait3A_279 = arith.constant 768 : i32
      %dma_wait3A_280 = tpu.memref_slice %arg7[%dma_wait3A_279] : memref<1280xi32, #tpu.memory_space<vmem>> -> memref<128xi32, #tpu.memory_space<vmem>>
      %dma_wait3A_281 = arith.constant 0 : i32
      %dma_wait3A_282 = arith.constant 0 : i32
      %dma_wait3A_283 = tpu.memref_slice %arg2[%dma_wait3A_281, %dma_wait3A_282] : memref<50000x32xf32, #tpu.memory_space<hbm>> -> memref<50000x32xf32, #tpu.memory_space<hbm>>
      tpu.wait_indirect_dma semaphore(%arg10 : memref<!tpu.dma_semaphore, #tpu.memory_space<semaphore_mem>>) src(%dma_wait3A_283 : memref<50000x32xf32, #tpu.memory_space<hbm>>) dst(%dma_wait3A_278 : memref<128x32xf32, #tpu.memory_space<vmem>>)
      %dma_wait3A_284 = arith.constant 768 : i32
      %dma_wait3A_285 = arith.constant 0 : i32
      %dma_wait3A_286 = tpu.memref_slice %arg9[%dma_wait3A_284, %dma_wait3A_285] : memref<1280x16xf32, #tpu.memory_space<vmem>> -> memref<128x16xf32, #tpu.memory_space<vmem>>
      %dma_wait3A_287 = arith.constant 768 : i32
      %dma_wait3A_288 = tpu.memref_slice %arg7[%dma_wait3A_287] : memref<1280xi32, #tpu.memory_space<vmem>> -> memref<128xi32, #tpu.memory_space<vmem>>
      %dma_wait3A_289 = arith.constant 0 : i32
      %dma_wait3A_290 = arith.constant 0 : i32
      %dma_wait3A_291 = tpu.memref_slice %arg3[%dma_wait3A_289, %dma_wait3A_290] : memref<50000x16xf32, #tpu.memory_space<hbm>> -> memref<50000x16xf32, #tpu.memory_space<hbm>>
      tpu.wait_indirect_dma semaphore(%arg11 : memref<!tpu.dma_semaphore, #tpu.memory_space<semaphore_mem>>) src(%dma_wait3A_291 : memref<50000x16xf32, #tpu.memory_space<hbm>>) dst(%dma_wait3A_286 : memref<128x16xf32, #tpu.memory_space<vmem>>)
      %dma_wait3A_292 = arith.constant 896 : i32
      %dma_wait3A_293 = arith.constant 0 : i32
      %dma_wait3A_294 = tpu.memref_slice %arg8[%dma_wait3A_292, %dma_wait3A_293] : memref<1280x32xf32, #tpu.memory_space<vmem>> -> memref<128x32xf32, #tpu.memory_space<vmem>>
      %dma_wait3A_295 = arith.constant 896 : i32
      %dma_wait3A_296 = tpu.memref_slice %arg7[%dma_wait3A_295] : memref<1280xi32, #tpu.memory_space<vmem>> -> memref<128xi32, #tpu.memory_space<vmem>>
      %dma_wait3A_297 = arith.constant 0 : i32
      %dma_wait3A_298 = arith.constant 0 : i32
      %dma_wait3A_299 = tpu.memref_slice %arg2[%dma_wait3A_297, %dma_wait3A_298] : memref<50000x32xf32, #tpu.memory_space<hbm>> -> memref<50000x32xf32, #tpu.memory_space<hbm>>
      tpu.wait_indirect_dma semaphore(%arg10 : memref<!tpu.dma_semaphore, #tpu.memory_space<semaphore_mem>>) src(%dma_wait3A_299 : memref<50000x32xf32, #tpu.memory_space<hbm>>) dst(%dma_wait3A_294 : memref<128x32xf32, #tpu.memory_space<vmem>>)
      %dma_wait3A_300 = arith.constant 896 : i32
      %dma_wait3A_301 = arith.constant 0 : i32
      %dma_wait3A_302 = tpu.memref_slice %arg9[%dma_wait3A_300, %dma_wait3A_301] : memref<1280x16xf32, #tpu.memory_space<vmem>> -> memref<128x16xf32, #tpu.memory_space<vmem>>
      %dma_wait3A_303 = arith.constant 896 : i32
      %dma_wait3A_304 = tpu.memref_slice %arg7[%dma_wait3A_303] : memref<1280xi32, #tpu.memory_space<vmem>> -> memref<128xi32, #tpu.memory_space<vmem>>
      %dma_wait3A_305 = arith.constant 0 : i32
      %dma_wait3A_306 = arith.constant 0 : i32
      %dma_wait3A_307 = tpu.memref_slice %arg3[%dma_wait3A_305, %dma_wait3A_306] : memref<50000x16xf32, #tpu.memory_space<hbm>> -> memref<50000x16xf32, #tpu.memory_space<hbm>>
      tpu.wait_indirect_dma semaphore(%arg11 : memref<!tpu.dma_semaphore, #tpu.memory_space<semaphore_mem>>) src(%dma_wait3A_307 : memref<50000x16xf32, #tpu.memory_space<hbm>>) dst(%dma_wait3A_302 : memref<128x16xf32, #tpu.memory_space<vmem>>)
      %dma_wait3A_308 = arith.constant 1024 : i32
      %dma_wait3A_309 = arith.constant 0 : i32
      %dma_wait3A_310 = tpu.memref_slice %arg8[%dma_wait3A_308, %dma_wait3A_309] : memref<1280x32xf32, #tpu.memory_space<vmem>> -> memref<128x32xf32, #tpu.memory_space<vmem>>
      %dma_wait3A_311 = arith.constant 1024 : i32
      %dma_wait3A_312 = tpu.memref_slice %arg7[%dma_wait3A_311] : memref<1280xi32, #tpu.memory_space<vmem>> -> memref<128xi32, #tpu.memory_space<vmem>>
      %dma_wait3A_313 = arith.constant 0 : i32
      %dma_wait3A_314 = arith.constant 0 : i32
      %dma_wait3A_315 = tpu.memref_slice %arg2[%dma_wait3A_313, %dma_wait3A_314] : memref<50000x32xf32, #tpu.memory_space<hbm>> -> memref<50000x32xf32, #tpu.memory_space<hbm>>
      tpu.wait_indirect_dma semaphore(%arg10 : memref<!tpu.dma_semaphore, #tpu.memory_space<semaphore_mem>>) src(%dma_wait3A_315 : memref<50000x32xf32, #tpu.memory_space<hbm>>) dst(%dma_wait3A_310 : memref<128x32xf32, #tpu.memory_space<vmem>>)
      %dma_wait3A_316 = arith.constant 1024 : i32
      %dma_wait3A_317 = arith.constant 0 : i32
      %dma_wait3A_318 = tpu.memref_slice %arg9[%dma_wait3A_316, %dma_wait3A_317] : memref<1280x16xf32, #tpu.memory_space<vmem>> -> memref<128x16xf32, #tpu.memory_space<vmem>>
      %dma_wait3A_319 = arith.constant 1024 : i32
      %dma_wait3A_320 = tpu.memref_slice %arg7[%dma_wait3A_319] : memref<1280xi32, #tpu.memory_space<vmem>> -> memref<128xi32, #tpu.memory_space<vmem>>
      %dma_wait3A_321 = arith.constant 0 : i32
      %dma_wait3A_322 = arith.constant 0 : i32
      %dma_wait3A_323 = tpu.memref_slice %arg3[%dma_wait3A_321, %dma_wait3A_322] : memref<50000x16xf32, #tpu.memory_space<hbm>> -> memref<50000x16xf32, #tpu.memory_space<hbm>>
      tpu.wait_indirect_dma semaphore(%arg11 : memref<!tpu.dma_semaphore, #tpu.memory_space<semaphore_mem>>) src(%dma_wait3A_323 : memref<50000x16xf32, #tpu.memory_space<hbm>>) dst(%dma_wait3A_318 : memref<128x16xf32, #tpu.memory_space<vmem>>)
      %dma_wait3A_324 = arith.constant 1152 : i32
      %dma_wait3A_325 = arith.constant 0 : i32
      %dma_wait3A_326 = tpu.memref_slice %arg8[%dma_wait3A_324, %dma_wait3A_325] : memref<1280x32xf32, #tpu.memory_space<vmem>> -> memref<128x32xf32, #tpu.memory_space<vmem>>
      %dma_wait3A_327 = arith.constant 1152 : i32
      %dma_wait3A_328 = tpu.memref_slice %arg7[%dma_wait3A_327] : memref<1280xi32, #tpu.memory_space<vmem>> -> memref<128xi32, #tpu.memory_space<vmem>>
      %dma_wait3A_329 = arith.constant 0 : i32
      %dma_wait3A_330 = arith.constant 0 : i32
      %dma_wait3A_331 = tpu.memref_slice %arg2[%dma_wait3A_329, %dma_wait3A_330] : memref<50000x32xf32, #tpu.memory_space<hbm>> -> memref<50000x32xf32, #tpu.memory_space<hbm>>
      tpu.wait_indirect_dma semaphore(%arg10 : memref<!tpu.dma_semaphore, #tpu.memory_space<semaphore_mem>>) src(%dma_wait3A_331 : memref<50000x32xf32, #tpu.memory_space<hbm>>) dst(%dma_wait3A_326 : memref<128x32xf32, #tpu.memory_space<vmem>>)
      %dma_wait3A_332 = arith.constant 1152 : i32
      %dma_wait3A_333 = arith.constant 0 : i32
      %dma_wait3A_334 = tpu.memref_slice %arg9[%dma_wait3A_332, %dma_wait3A_333] : memref<1280x16xf32, #tpu.memory_space<vmem>> -> memref<128x16xf32, #tpu.memory_space<vmem>>
      %dma_wait3A_335 = arith.constant 1152 : i32
      %dma_wait3A_336 = tpu.memref_slice %arg7[%dma_wait3A_335] : memref<1280xi32, #tpu.memory_space<vmem>> -> memref<128xi32, #tpu.memory_space<vmem>>
      %dma_wait3A_337 = arith.constant 0 : i32
      %dma_wait3A_338 = arith.constant 0 : i32
      %dma_wait3A_339 = tpu.memref_slice %arg3[%dma_wait3A_337, %dma_wait3A_338] : memref<50000x16xf32, #tpu.memory_space<hbm>> -> memref<50000x16xf32, #tpu.memory_space<hbm>>
      tpu.wait_indirect_dma semaphore(%arg11 : memref<!tpu.dma_semaphore, #tpu.memory_space<semaphore_mem>>) src(%dma_wait3A_339 : memref<50000x16xf32, #tpu.memory_space<hbm>>) dst(%dma_wait3A_334 : memref<128x16xf32, #tpu.memory_space<vmem>>)
      "tpu.region"() ({
        %run_scoped3A = tpu.sem_alloc : memref<!tpu.dma_semaphore, #tpu.memory_space<semaphore_mem>>
        %dma_start3A_340 = arith.constant 0 : i32
        %dma_start3A_341 = tpu.memref_slice %arg5[%multiple_of3A, %dma_start3A_340] : memref<800000x32xf32, #tpu.memory_space<hbm>> -> memref<1280x32xf32, #tpu.memory_space<hbm>>
        %dma_start3A_342 = arith.constant 0 : i32
        %dma_start3A_343 = tpu.memref_slice %arg5[%multiple_of3A, %dma_start3A_342] : memref<800000x32xf32, #tpu.memory_space<hbm>> -> memref<1280x32xf32, #tpu.memory_space<hbm>>
        tpu.enqueue_dma source(%arg8 : memref<1280x32xf32, #tpu.memory_space<vmem>>) target(%dma_start3A_343 : memref<1280x32xf32, #tpu.memory_space<hbm>>) target_semaphore(%run_scoped3A : memref<!tpu.dma_semaphore, #tpu.memory_space<semaphore_mem>>)
        %dma_wait3A_344 = arith.constant 0 : i32
        %dma_wait3A_345 = tpu.memref_slice %arg5[%multiple_of3A, %dma_wait3A_344] : memref<800000x32xf32, #tpu.memory_space<hbm>> -> memref<1280x32xf32, #tpu.memory_space<hbm>>
        %dma_wait3A_346 = arith.constant 0 : i32
        %dma_wait3A_347 = tpu.memref_slice %arg5[%multiple_of3A, %dma_wait3A_346] : memref<800000x32xf32, #tpu.memory_space<hbm>> -> memref<1280x32xf32, #tpu.memory_space<hbm>>
        tpu.wait_dma2 semaphore(%run_scoped3A : memref<!tpu.dma_semaphore, #tpu.memory_space<semaphore_mem>>) src(%arg8 : memref<1280x32xf32, #tpu.memory_space<vmem>>) dst(%dma_wait3A_347 : memref<1280x32xf32, #tpu.memory_space<hbm>>)
        tpu.yield
      }) : () -> ()
      "tpu.region"() ({
        %run_scoped3A = tpu.sem_alloc : memref<!tpu.dma_semaphore, #tpu.memory_space<semaphore_mem>>
        %dma_start3A_340 = arith.constant 0 : i32
        %dma_start3A_341 = tpu.memref_slice %arg6[%multiple_of3A, %dma_start3A_340] : memref<800000x16xf32, #tpu.memory_space<hbm>> -> memref<1280x16xf32, #tpu.memory_space<hbm>>
        %dma_start3A_342 = arith.constant 0 : i32
        %dma_start3A_343 = tpu.memref_slice %arg6[%multiple_of3A, %dma_start3A_342] : memref<800000x16xf32, #tpu.memory_space<hbm>> -> memref<1280x16xf32, #tpu.memory_space<hbm>>
        tpu.enqueue_dma source(%arg9 : memref<1280x16xf32, #tpu.memory_space<vmem>>) target(%dma_start3A_343 : memref<1280x16xf32, #tpu.memory_space<hbm>>) target_semaphore(%run_scoped3A : memref<!tpu.dma_semaphore, #tpu.memory_space<semaphore_mem>>)
        %dma_wait3A_344 = arith.constant 0 : i32
        %dma_wait3A_345 = tpu.memref_slice %arg6[%multiple_of3A, %dma_wait3A_344] : memref<800000x16xf32, #tpu.memory_space<hbm>> -> memref<1280x16xf32, #tpu.memory_space<hbm>>
        %dma_wait3A_346 = arith.constant 0 : i32
        %dma_wait3A_347 = tpu.memref_slice %arg6[%multiple_of3A, %dma_wait3A_346] : memref<800000x16xf32, #tpu.memory_space<hbm>> -> memref<1280x16xf32, #tpu.memory_space<hbm>>
        tpu.wait_dma2 semaphore(%run_scoped3A : memref<!tpu.dma_semaphore, #tpu.memory_space<semaphore_mem>>) src(%arg9 : memref<1280x16xf32, #tpu.memory_space<vmem>>) dst(%dma_wait3A_347 : memref<1280x16xf32, #tpu.memory_space<hbm>>)
        tpu.yield
      }) : () -> ()
    }
    return
  }
}

module attributes {stable_mosaic.version = 14 : i64} {
  func.func @_embed_body(%arg0: i32, %arg1: memref<2000x16xf32, #tpu.memory_space<vmem>>, %arg2: memref<16x64xf32, #tpu.memory_space<vmem>>, %arg3: memref<1x64xf32, #tpu.memory_space<vmem>>, %arg4: memref<64x64xf32, #tpu.memory_space<vmem>>, %arg5: memref<1x64xf32, #tpu.memory_space<vmem>>, %arg6: memref<64x32xf32, #tpu.memory_space<vmem>>, %arg7: memref<1x32xf32, #tpu.memory_space<vmem>>, %arg8: memref<2000x32xf32, #tpu.memory_space<vmem>>) attributes {dimension_semantics = [#tpu.dimension_semantics<parallel>], iteration_bounds = array<i64: 25>, scalar_prefetch = 0 : i64, scratch_operands = 0 : i64, tpu.core_type = #tpu.core_type<tc>, window_params = [{transform_indices = @transform_0, window_bounds = array<i64: 2000, 16>}, {pipeline_mode = #tpu.pipeline_mode<synchronous>, transform_indices = @transform_1, window_bounds = array<i64: 16, 64>}, {pipeline_mode = #tpu.pipeline_mode<synchronous>, transform_indices = @transform_2, window_bounds = array<i64: 1, 64>}, {pipeline_mode = #tpu.pipeline_mode<synchronous>, transform_indices = @transform_3, window_bounds = array<i64: 64, 64>}, {pipeline_mode = #tpu.pipeline_mode<synchronous>, transform_indices = @transform_4, window_bounds = array<i64: 1, 64>}, {pipeline_mode = #tpu.pipeline_mode<synchronous>, transform_indices = @transform_5, window_bounds = array<i64: 64, 32>}, {pipeline_mode = #tpu.pipeline_mode<synchronous>, transform_indices = @transform_6, window_bounds = array<i64: 1, 32>}, {transform_indices = @transform_7, window_bounds = array<i64: 2000, 32>}]} {
    %get3A = arith.constant 0 : index
    %get3A_0 = arith.constant 0 : index
    %get3A_1 = vector.load %arg1[%get3A, %get3A_0] : memref<2000x16xf32, #tpu.memory_space<vmem>>, vector<2000x16xf32>
    %get3A_2 = arith.constant 0 : index
    %get3A_3 = arith.constant 0 : index
    %get3A_4 = vector.load %arg2[%get3A_2, %get3A_3] : memref<16x64xf32, #tpu.memory_space<vmem>>, vector<16x64xf32>
    %dot_general3A = arith.constant dense<0.000000e+00> : vector<2000x64xf32>
    %dot_general3A_5 = tpu.matmul %get3A_1, %get3A_4, %dot_general3A {dimension_numbers = #tpu.dot_dimension_numbers<[1], [0], [0], [1], [0, 0, 1, 1], [], []>, transpose_lhs_hint = false} : vector<2000x16xf32>, vector<16x64xf32>, vector<2000x64xf32> -> vector<2000x64xf32>
    %get3A_6 = arith.constant 0 : index
    %get3A_7 = arith.constant 0 : index
    %get3A_8 = vector.load %arg3[%get3A_6, %get3A_7] : memref<1x64xf32, #tpu.memory_space<vmem>>, vector<1x64xf32>
    %add3A = vector.broadcast %get3A_8 : vector<1x64xf32> to vector<2000x64xf32>
    %add3A_9 = arith.addf %dot_general3A_5, %add3A : vector<2000x64xf32>
    %integer_pow3A = arith.mulf %add3A_9, %add3A_9 : vector<2000x64xf32>
    %integer_pow3A_10 = arith.mulf %add3A_9, %integer_pow3A : vector<2000x64xf32>
    %mul3A = arith.constant 4.471500e-02 : f32
    %mul3A_11 = vector.broadcast %mul3A : f32 to vector<2000x64xf32>
    %mul3A_12 = arith.mulf %mul3A_11, %integer_pow3A_10 : vector<2000x64xf32>
    %add3A_13 = arith.addf %add3A_9, %mul3A_12 : vector<2000x64xf32>
    %mul3A_14 = arith.constant 0.797884583 : f32
    %mul3A_15 = vector.broadcast %mul3A_14 : f32 to vector<2000x64xf32>
    %mul3A_16 = arith.mulf %mul3A_15, %add3A_13 : vector<2000x64xf32>
    %tanh3A = math.tanh %mul3A_16 : vector<2000x64xf32>
    %add3A_17 = arith.constant 1.000000e+00 : f32
    %add3A_18 = vector.broadcast %add3A_17 : f32 to vector<2000x64xf32>
    %add3A_19 = arith.addf %add3A_18, %tanh3A : vector<2000x64xf32>
    %mul3A_20 = arith.constant 5.000000e-01 : f32
    %mul3A_21 = vector.broadcast %mul3A_20 : f32 to vector<2000x64xf32>
    %mul3A_22 = arith.mulf %mul3A_21, %add3A_19 : vector<2000x64xf32>
    %mul3A_23 = arith.mulf %add3A_9, %mul3A_22 : vector<2000x64xf32>
    %get3A_24 = arith.constant 0 : index
    %get3A_25 = arith.constant 0 : index
    %get3A_26 = vector.load %arg4[%get3A_24, %get3A_25] : memref<64x64xf32, #tpu.memory_space<vmem>>, vector<64x64xf32>
    %dot_general3A_27 = arith.constant dense<0.000000e+00> : vector<2000x64xf32>
    %dot_general3A_28 = tpu.matmul %mul3A_23, %get3A_26, %dot_general3A_27 {dimension_numbers = #tpu.dot_dimension_numbers<[1], [0], [0], [1], [0, 0, 1, 1], [], []>, transpose_lhs_hint = false} : vector<2000x64xf32>, vector<64x64xf32>, vector<2000x64xf32> -> vector<2000x64xf32>
    %get3A_29 = arith.constant 0 : index
    %get3A_30 = arith.constant 0 : index
    %get3A_31 = vector.load %arg5[%get3A_29, %get3A_30] : memref<1x64xf32, #tpu.memory_space<vmem>>, vector<1x64xf32>
    %add3A_32 = vector.broadcast %get3A_31 : vector<1x64xf32> to vector<2000x64xf32>
    %add3A_33 = arith.addf %dot_general3A_28, %add3A_32 : vector<2000x64xf32>
    %integer_pow3A_34 = arith.mulf %add3A_33, %add3A_33 : vector<2000x64xf32>
    %integer_pow3A_35 = arith.mulf %add3A_33, %integer_pow3A_34 : vector<2000x64xf32>
    %mul3A_36 = arith.constant 4.471500e-02 : f32
    %mul3A_37 = vector.broadcast %mul3A_36 : f32 to vector<2000x64xf32>
    %mul3A_38 = arith.mulf %mul3A_37, %integer_pow3A_35 : vector<2000x64xf32>
    %add3A_39 = arith.addf %add3A_33, %mul3A_38 : vector<2000x64xf32>
    %mul3A_40 = arith.constant 0.797884583 : f32
    %mul3A_41 = vector.broadcast %mul3A_40 : f32 to vector<2000x64xf32>
    %mul3A_42 = arith.mulf %mul3A_41, %add3A_39 : vector<2000x64xf32>
    %tanh3A_43 = math.tanh %mul3A_42 : vector<2000x64xf32>
    %add3A_44 = arith.constant 1.000000e+00 : f32
    %add3A_45 = vector.broadcast %add3A_44 : f32 to vector<2000x64xf32>
    %add3A_46 = arith.addf %add3A_45, %tanh3A_43 : vector<2000x64xf32>
    %mul3A_47 = arith.constant 5.000000e-01 : f32
    %mul3A_48 = vector.broadcast %mul3A_47 : f32 to vector<2000x64xf32>
    %mul3A_49 = arith.mulf %mul3A_48, %add3A_46 : vector<2000x64xf32>
    %mul3A_50 = arith.mulf %add3A_33, %mul3A_49 : vector<2000x64xf32>
    %get3A_51 = arith.constant 0 : index
    %get3A_52 = arith.constant 0 : index
    %get3A_53 = vector.load %arg6[%get3A_51, %get3A_52] : memref<64x32xf32, #tpu.memory_space<vmem>>, vector<64x32xf32>
    %dot_general3A_54 = arith.constant dense<0.000000e+00> : vector<2000x32xf32>
    %dot_general3A_55 = tpu.matmul %mul3A_50, %get3A_53, %dot_general3A_54 {dimension_numbers = #tpu.dot_dimension_numbers<[1], [0], [0], [1], [0, 0, 1, 1], [], []>, transpose_lhs_hint = false} : vector<2000x64xf32>, vector<64x32xf32>, vector<2000x32xf32> -> vector<2000x32xf32>
    %get3A_56 = arith.constant 0 : index
    %get3A_57 = arith.constant 0 : index
    %get3A_58 = vector.load %arg7[%get3A_56, %get3A_57] : memref<1x32xf32, #tpu.memory_space<vmem>>, vector<1x32xf32>
    %add3A_59 = vector.broadcast %get3A_58 : vector<1x32xf32> to vector<2000x32xf32>
    %add3A_60 = arith.addf %dot_general3A_55, %add3A_59 : vector<2000x32xf32>
    %swap3A = arith.constant 0 : index
    %swap3A_61 = arith.constant 0 : index
    %swap3A_62 = vector.load %arg8[%swap3A, %swap3A_61] : memref<2000x32xf32, #tpu.memory_space<vmem>>, vector<2000x32xf32>
    tpu.vector_store %arg8[%swap3A, %swap3A_61], %add3A_60 {strides = array<i32>} : memref<2000x32xf32, #tpu.memory_space<vmem>>, vector<2000x32xf32>,
    return
  }
  func.func @transform_0(%arg0: i32) -> (i32, i32) {
    %c0_i32 = arith.constant 0 : i32
    %c0_i32_0 = arith.constant 0 : i32
    return %arg0, %c0_i32 : i32, i32
  }
  func.func @transform_1(%arg0: i32) -> (i32, i32) {
    %c0_i32 = arith.constant 0 : i32
    %c0_i32_0 = arith.constant 0 : i32
    %c0_i32_1 = arith.constant 0 : i32
    return %c0_i32, %c0_i32_0 : i32, i32
  }
  func.func @transform_2(%arg0: i32) -> (i32, i32) {
    %c0_i32 = arith.constant 0 : i32
    %c0_i32_0 = arith.constant 0 : i32
    %c0_i32_1 = arith.constant 0 : i32
    return %c0_i32, %c0_i32_0 : i32, i32
  }
  func.func @transform_3(%arg0: i32) -> (i32, i32) {
    %c0_i32 = arith.constant 0 : i32
    %c0_i32_0 = arith.constant 0 : i32
    %c0_i32_1 = arith.constant 0 : i32
    return %c0_i32, %c0_i32_0 : i32, i32
  }
  func.func @transform_4(%arg0: i32) -> (i32, i32) {
    %c0_i32 = arith.constant 0 : i32
    %c0_i32_0 = arith.constant 0 : i32
    %c0_i32_1 = arith.constant 0 : i32
    return %c0_i32, %c0_i32_0 : i32, i32
  }
  func.func @transform_5(%arg0: i32) -> (i32, i32) {
    %c0_i32 = arith.constant 0 : i32
    %c0_i32_0 = arith.constant 0 : i32
    %c0_i32_1 = arith.constant 0 : i32
    return %c0_i32, %c0_i32_0 : i32, i32
  }
  func.func @transform_6(%arg0: i32) -> (i32, i32) {
    %c0_i32 = arith.constant 0 : i32
    %c0_i32_0 = arith.constant 0 : i32
    %c0_i32_1 = arith.constant 0 : i32
    return %c0_i32, %c0_i32_0 : i32, i32
  }
  func.func @transform_7(%arg0: i32) -> (i32, i32) {
    %c0_i32 = arith.constant 0 : i32
    %c0_i32_0 = arith.constant 0 : i32
    return %arg0, %c0_i32 : i32, i32
  }
}

module attributes {stable_mosaic.version = 14 : i64} {
  func.func @_edge_body(%arg0: i32, %arg1: memref<4000x128xf32, #tpu.memory_space<vmem>>, %arg2: memref<4000x64xf32, #tpu.memory_space<vmem>>, %arg3: memref<1000x32xf32, #tpu.memory_space<vmem>>, %arg4: memref<1000x16xf32, #tpu.memory_space<vmem>>, %arg5: memref<64x256xf32, #tpu.memory_space<vmem>>, %arg6: memref<16x64xf32, #tpu.memory_space<vmem>>, %arg7: memref<1x64xf32, #tpu.memory_space<vmem>>, %arg8: memref<256x256xf32, #tpu.memory_space<vmem>>, %arg9: memref<1x256xf32, #tpu.memory_space<vmem>>, %arg10: memref<256x128xf32, #tpu.memory_space<vmem>>, %arg11: memref<1x128xf32, #tpu.memory_space<vmem>>, %arg12: memref<32x32xf32, #tpu.memory_space<vmem>>, %arg13: memref<1x32xf32, #tpu.memory_space<vmem>>, %arg14: memref<32x64xf32, #tpu.memory_space<vmem>>, %arg15: memref<1x64xf32, #tpu.memory_space<vmem>>, %arg16: memref<64x64xf32, #tpu.memory_space<vmem>>, %arg17: memref<1x64xf32, #tpu.memory_space<vmem>>, %arg18: memref<64x1xf32, #tpu.memory_space<vmem>>, %arg19: memref<1x1xf32, #tpu.memory_space<vmem>>, %arg20: memref<1000x1xf32, #tpu.memory_space<vmem>>) attributes {dimension_semantics = [#tpu.dimension_semantics<parallel>], iteration_bounds = array<i64: 50>, scalar_prefetch = 0 : i64, scratch_operands = 0 : i64, tpu.core_type = #tpu.core_type<tc>, window_params = [{transform_indices = @transform_0, window_bounds = array<i64: 4000, 128>}, {transform_indices = @transform_1, window_bounds = array<i64: 4000, 64>}, {transform_indices = @transform_2, window_bounds = array<i64: 1000, 32>}, {transform_indices = @transform_3, window_bounds = array<i64: 1000, 16>}, {pipeline_mode = #tpu.pipeline_mode<synchronous>, transform_indices = @transform_4, window_bounds = array<i64: 64, 256>}, {pipeline_mode = #tpu.pipeline_mode<synchronous>, transform_indices = @transform_5, window_bounds = array<i64: 16, 64>}, {pipeline_mode = #tpu.pipeline_mode<synchronous>, transform_indices = @transform_6, window_bounds = array<i64: 1, 64>}, {pipeline_mode = #tpu.pipeline_mode<synchronous>, transform_indices = @transform_7, window_bounds = array<i64: 256, 256>}, {pipeline_mode = #tpu.pipeline_mode<synchronous>, transform_indices = @transform_8, window_bounds = array<i64: 1, 256>}, {pipeline_mode = #tpu.pipeline_mode<synchronous>, transform_indices = @transform_9, window_bounds = array<i64: 256, 128>}, {pipeline_mode = #tpu.pipeline_mode<synchronous>, transform_indices = @transform_10, window_bounds = array<i64: 1, 128>}, {pipeline_mode = #tpu.pipeline_mode<synchronous>, transform_indices = @transform_11, window_bounds = array<i64: 32, 32>}, {pipeline_mode = #tpu.pipeline_mode<synchronous>, transform_indices = @transform_12, window_bounds = array<i64: 1, 32>}, {pipeline_mode = #tpu.pipeline_mode<synchronous>, transform_indices = @transform_13, window_bounds = array<i64: 32, 64>}, {pipeline_mode = #tpu.pipeline_mode<synchronous>, transform_indices = @transform_14, window_bounds = array<i64: 1, 64>}, {pipeline_mode = #tpu.pipeline_mode<synchronous>, transform_indices = @transform_15, window_bounds = array<i64: 64, 64>}, {pipeline_mode = #tpu.pipeline_mode<synchronous>, transform_indices = @transform_16, window_bounds = array<i64: 1, 64>}, {pipeline_mode = #tpu.pipeline_mode<synchronous>, transform_indices = @transform_17, window_bounds = array<i64: 64, 1>}, {pipeline_mode = #tpu.pipeline_mode<synchronous>, transform_indices = @transform_18, window_bounds = array<i64: 1, 1>}, {transform_indices = @transform_19, window_bounds = array<i64: 1000, 1>}]} {
    %get3A = arith.constant 0 : index
    %get3A_0 = arith.constant 0 : index
    %get3A_1 = vector.load %arg2[%get3A, %get3A_0] : memref<4000x64xf32, #tpu.memory_space<vmem>>, vector<4000x64xf32>
    %get3A_2 = arith.constant 0 : index
    %get3A_3 = arith.constant 0 : index
    %get3A_4 = vector.load %arg5[%get3A_2, %get3A_3] : memref<64x256xf32, #tpu.memory_space<vmem>>, vector<64x256xf32>
    %dot_general3A = arith.constant dense<0.000000e+00> : vector<4000x256xf32>
    %dot_general3A_5 = tpu.matmul %get3A_1, %get3A_4, %dot_general3A {dimension_numbers = #tpu.dot_dimension_numbers<[1], [0], [0], [1], [0, 0, 1, 1], [], []>, transpose_lhs_hint = false} : vector<4000x64xf32>, vector<64x256xf32>, vector<4000x256xf32> -> vector<4000x256xf32>
    %get3A_6 = arith.constant 0 : index
    %get3A_7 = arith.constant 0 : index
    %get3A_8 = vector.load %arg4[%get3A_6, %get3A_7] : memref<1000x16xf32, #tpu.memory_space<vmem>>, vector<1000x16xf32>
    %get3A_9 = arith.constant 0 : index
    %get3A_10 = arith.constant 0 : index
    %get3A_11 = vector.load %arg6[%get3A_9, %get3A_10] : memref<16x64xf32, #tpu.memory_space<vmem>>, vector<16x64xf32>
    %dot_general3A_12 = arith.constant dense<0.000000e+00> : vector<1000x64xf32>
    %dot_general3A_13 = tpu.matmul %get3A_8, %get3A_11, %dot_general3A_12 {dimension_numbers = #tpu.dot_dimension_numbers<[1], [0], [0], [1], [0, 0, 1, 1], [], []>, transpose_lhs_hint = false} : vector<1000x16xf32>, vector<16x64xf32>, vector<1000x64xf32> -> vector<1000x64xf32>
    %get3A_14 = arith.constant 0 : index
    %get3A_15 = arith.constant 0 : index
    %get3A_16 = vector.load %arg7[%get3A_14, %get3A_15] : memref<1x64xf32, #tpu.memory_space<vmem>>, vector<1x64xf32>
    %add3A = vector.broadcast %get3A_16 : vector<1x64xf32> to vector<1000x64xf32>
    %add3A_17 = arith.addf %dot_general3A_13, %add3A : vector<1000x64xf32>
    %concatenate3A = tpu.concatenate %add3A_17, %add3A_17, %add3A_17, %add3A_17 in 1 : vector<1000x64xf32>, vector<1000x64xf32>, vector<1000x64xf32>, vector<1000x64xf32> -> vector<1000x256xf32>
    %reshape3A = vector.shape_cast %dot_general3A_5 : vector<4000x256xf32> to vector<1000x4x256xf32>
    %reshape3A_18 = vector.shape_cast %concatenate3A : vector<1000x256xf32> to vector<1000x1x256xf32>
    %add3A_19 = vector.broadcast %reshape3A_18 : vector<1000x1x256xf32> to vector<1000x4x256xf32>
    %add3A_20 = arith.addf %reshape3A, %add3A_19 : vector<1000x4x256xf32>
    %integer_pow3A = arith.mulf %add3A_20, %add3A_20 : vector<1000x4x256xf32>
    %integer_pow3A_21 = arith.mulf %add3A_20, %integer_pow3A : vector<1000x4x256xf32>
    %mul3A = arith.constant 4.471500e-02 : f32
    %mul3A_22 = vector.broadcast %mul3A : f32 to vector<1000x4x256xf32>
    %mul3A_23 = arith.mulf %mul3A_22, %integer_pow3A_21 : vector<1000x4x256xf32>
    %add3A_24 = arith.addf %add3A_20, %mul3A_23 : vector<1000x4x256xf32>
    %mul3A_25 = arith.constant 0.797884583 : f32
    %mul3A_26 = vector.broadcast %mul3A_25 : f32 to vector<1000x4x256xf32>
    %mul3A_27 = arith.mulf %mul3A_26, %add3A_24 : vector<1000x4x256xf32>
    %tanh3A = math.tanh %mul3A_27 : vector<1000x4x256xf32>
    %add3A_28 = arith.constant 1.000000e+00 : f32
    %add3A_29 = vector.broadcast %add3A_28 : f32 to vector<1000x4x256xf32>
    %add3A_30 = arith.addf %add3A_29, %tanh3A : vector<1000x4x256xf32>
    %mul3A_31 = arith.constant 5.000000e-01 : f32
    %mul3A_32 = vector.broadcast %mul3A_31 : f32 to vector<1000x4x256xf32>
    %mul3A_33 = arith.mulf %mul3A_32, %add3A_30 : vector<1000x4x256xf32>
    %mul3A_34 = arith.mulf %add3A_20, %mul3A_33 : vector<1000x4x256xf32>
    %reshape3A_35 = vector.shape_cast %mul3A_34 : vector<1000x4x256xf32> to vector<4000x256xf32>
    %get3A_36 = arith.constant 0 : index
    %get3A_37 = arith.constant 0 : index
    %get3A_38 = vector.load %arg8[%get3A_36, %get3A_37] : memref<256x256xf32, #tpu.memory_space<vmem>>, vector<256x256xf32>
    %dot_general3A_39 = arith.constant dense<0.000000e+00> : vector<4000x256xf32>
    %dot_general3A_40 = tpu.matmul %reshape3A_35, %get3A_38, %dot_general3A_39 {dimension_numbers = #tpu.dot_dimension_numbers<[1], [0], [0], [1], [0, 0, 1, 1], [], []>, transpose_lhs_hint = false} : vector<4000x256xf32>, vector<256x256xf32>, vector<4000x256xf32> -> vector<4000x256xf32>
    %get3A_41 = arith.constant 0 : index
    %get3A_42 = arith.constant 0 : index
    %get3A_43 = vector.load %arg9[%get3A_41, %get3A_42] : memref<1x256xf32, #tpu.memory_space<vmem>>, vector<1x256xf32>
    %add3A_44 = vector.broadcast %get3A_43 : vector<1x256xf32> to vector<4000x256xf32>
    %add3A_45 = arith.addf %dot_general3A_40, %add3A_44 : vector<4000x256xf32>
    %integer_pow3A_46 = arith.mulf %add3A_45, %add3A_45 : vector<4000x256xf32>
    %integer_pow3A_47 = arith.mulf %add3A_45, %integer_pow3A_46 : vector<4000x256xf32>
    %mul3A_48 = arith.constant 4.471500e-02 : f32
    %mul3A_49 = vector.broadcast %mul3A_48 : f32 to vector<4000x256xf32>
    %mul3A_50 = arith.mulf %mul3A_49, %integer_pow3A_47 : vector<4000x256xf32>
    %add3A_51 = arith.addf %add3A_45, %mul3A_50 : vector<4000x256xf32>
    %mul3A_52 = arith.constant 0.797884583 : f32
    %mul3A_53 = vector.broadcast %mul3A_52 : f32 to vector<4000x256xf32>
    %mul3A_54 = arith.mulf %mul3A_53, %add3A_51 : vector<4000x256xf32>
    %tanh3A_55 = math.tanh %mul3A_54 : vector<4000x256xf32>
    %add3A_56 = arith.constant 1.000000e+00 : f32
    %add3A_57 = vector.broadcast %add3A_56 : f32 to vector<4000x256xf32>
    %add3A_58 = arith.addf %add3A_57, %tanh3A_55 : vector<4000x256xf32>
    %mul3A_59 = arith.constant 5.000000e-01 : f32
    %mul3A_60 = vector.broadcast %mul3A_59 : f32 to vector<4000x256xf32>
    %mul3A_61 = arith.mulf %mul3A_60, %add3A_58 : vector<4000x256xf32>
    %mul3A_62 = arith.mulf %add3A_45, %mul3A_61 : vector<4000x256xf32>
    %get3A_63 = arith.constant 0 : index
    %get3A_64 = arith.constant 0 : index
    %get3A_65 = vector.load %arg10[%get3A_63, %get3A_64] : memref<256x128xf32, #tpu.memory_space<vmem>>, vector<256x128xf32>
    %dot_general3A_66 = arith.constant dense<0.000000e+00> : vector<4000x128xf32>
    %dot_general3A_67 = tpu.matmul %mul3A_62, %get3A_65, %dot_general3A_66 {dimension_numbers = #tpu.dot_dimension_numbers<[1], [0], [0], [1], [0, 0, 1, 1], [], []>, transpose_lhs_hint = false} : vector<4000x256xf32>, vector<256x128xf32>, vector<4000x128xf32> -> vector<4000x128xf32>
    %get3A_68 = arith.constant 0 : index
    %get3A_69 = arith.constant 0 : index
    %get3A_70 = vector.load %arg11[%get3A_68, %get3A_69] : memref<1x128xf32, #tpu.memory_space<vmem>>, vector<1x128xf32>
    %add3A_71 = vector.broadcast %get3A_70 : vector<1x128xf32> to vector<4000x128xf32>
    %add3A_72 = arith.addf %dot_general3A_67, %add3A_71 : vector<4000x128xf32>
    %get3A_73 = arith.constant 0 : index
    %get3A_74 = arith.constant 0 : index
    %get3A_75 = vector.load %arg1[%get3A_73, %get3A_74] : memref<4000x128xf32, #tpu.memory_space<vmem>>, vector<4000x128xf32>
    %mul3A_76 = arith.mulf %add3A_72, %get3A_75 : vector<4000x128xf32>
    %reshape3A_77 = vector.shape_cast %mul3A_76 : vector<4000x128xf32> to vector<1000x4x128xf32>
    %reduce_sum3A = arith.constant dense<0.000000e+00> : vector<1000x128xf32>
    %reduce_sum3A_78 = vector.multi_reduction <add>, %reshape3A_77, %reduce_sum3A [1] : vector<1000x4x128xf32> to vector<1000x128xf32>
    %slice3A = vector.extract_strided_slice %reduce_sum3A_78 {offsets = [0, 0], sizes = [1000, 32], strides = [1, 1]} : vector<1000x128xf32> to vector<1000x32xf32>
    %slice3A_79 = vector.extract_strided_slice %reduce_sum3A_78 {offsets = [0, 32], sizes = [1000, 32], strides = [1, 1]} : vector<1000x128xf32> to vector<1000x32xf32>
    %add3A_80 = arith.addf %slice3A, %slice3A_79 : vector<1000x32xf32>
    %slice3A_81 = vector.extract_strided_slice %reduce_sum3A_78 {offsets = [0, 64], sizes = [1000, 32], strides = [1, 1]} : vector<1000x128xf32> to vector<1000x32xf32>
    %add3A_82 = arith.addf %add3A_80, %slice3A_81 : vector<1000x32xf32>
    %slice3A_83 = vector.extract_strided_slice %reduce_sum3A_78 {offsets = [0, 96], sizes = [1000, 32], strides = [1, 1]} : vector<1000x128xf32> to vector<1000x32xf32>
    %add3A_84 = arith.addf %add3A_82, %slice3A_83 : vector<1000x32xf32>
    %mul3A_85 = arith.constant 6.250000e-02 : f32
    %mul3A_86 = vector.broadcast %mul3A_85 : f32 to vector<1000x32xf32>
    %mul3A_87 = arith.mulf %add3A_84, %mul3A_86 : vector<1000x32xf32>
    %get3A_88 = arith.constant 0 : index
    %get3A_89 = arith.constant 0 : index
    %get3A_90 = vector.load %arg3[%get3A_88, %get3A_89] : memref<1000x32xf32, #tpu.memory_space<vmem>>, vector<1000x32xf32>
    %get3A_91 = arith.constant 0 : index
    %get3A_92 = arith.constant 0 : index
    %get3A_93 = vector.load %arg12[%get3A_91, %get3A_92] : memref<32x32xf32, #tpu.memory_space<vmem>>, vector<32x32xf32>
    %dot_general3A_94 = arith.constant dense<0.000000e+00> : vector<1000x32xf32>
    %dot_general3A_95 = tpu.matmul %get3A_90, %get3A_93, %dot_general3A_94 {dimension_numbers = #tpu.dot_dimension_numbers<[1], [0], [0], [1], [0, 0, 1, 1], [], []>, transpose_lhs_hint = false} : vector<1000x32xf32>, vector<32x32xf32>, vector<1000x32xf32> -> vector<1000x32xf32>
    %get3A_96 = arith.constant 0 : index
    %get3A_97 = arith.constant 0 : index
    %get3A_98 = vector.load %arg13[%get3A_96, %get3A_97] : memref<1x32xf32, #tpu.memory_space<vmem>>, vector<1x32xf32>
    %add3A_99 = vector.broadcast %get3A_98 : vector<1x32xf32> to vector<1000x32xf32>
    %add3A_100 = arith.addf %dot_general3A_95, %add3A_99 : vector<1000x32xf32>
    %add3A_101 = arith.addf %add3A_100, %mul3A_87 : vector<1000x32xf32>
    %integer_pow3A_102 = arith.mulf %add3A_101, %add3A_101 : vector<1000x32xf32>
    %integer_pow3A_103 = arith.mulf %add3A_101, %integer_pow3A_102 : vector<1000x32xf32>
    %mul3A_104 = arith.constant 4.471500e-02 : f32
    %mul3A_105 = vector.broadcast %mul3A_104 : f32 to vector<1000x32xf32>
    %mul3A_106 = arith.mulf %mul3A_105, %integer_pow3A_103 : vector<1000x32xf32>
    %add3A_107 = arith.addf %add3A_101, %mul3A_106 : vector<1000x32xf32>
    %mul3A_108 = arith.constant 0.797884583 : f32
    %mul3A_109 = vector.broadcast %mul3A_108 : f32 to vector<1000x32xf32>
    %mul3A_110 = arith.mulf %mul3A_109, %add3A_107 : vector<1000x32xf32>
    %tanh3A_111 = math.tanh %mul3A_110 : vector<1000x32xf32>
    %add3A_112 = arith.constant 1.000000e+00 : f32
    %add3A_113 = vector.broadcast %add3A_112 : f32 to vector<1000x32xf32>
    %add3A_114 = arith.addf %add3A_113, %tanh3A_111 : vector<1000x32xf32>
    %mul3A_115 = arith.constant 5.000000e-01 : f32
    %mul3A_116 = vector.broadcast %mul3A_115 : f32 to vector<1000x32xf32>
    %mul3A_117 = arith.mulf %mul3A_116, %add3A_114 : vector<1000x32xf32>
    %mul3A_118 = arith.mulf %add3A_101, %mul3A_117 : vector<1000x32xf32>
    %get3A_119 = arith.constant 0 : index
    %get3A_120 = arith.constant 0 : index
    %get3A_121 = vector.load %arg14[%get3A_119, %get3A_120] : memref<32x64xf32, #tpu.memory_space<vmem>>, vector<32x64xf32>
    %dot_general3A_122 = arith.constant dense<0.000000e+00> : vector<1000x64xf32>
    %dot_general3A_123 = tpu.matmul %mul3A_118, %get3A_121, %dot_general3A_122 {dimension_numbers = #tpu.dot_dimension_numbers<[1], [0], [0], [1], [0, 0, 1, 1], [], []>, transpose_lhs_hint = false} : vector<1000x32xf32>, vector<32x64xf32>, vector<1000x64xf32> -> vector<1000x64xf32>
    %get3A_124 = arith.constant 0 : index
    %get3A_125 = arith.constant 0 : index
    %get3A_126 = vector.load %arg15[%get3A_124, %get3A_125] : memref<1x64xf32, #tpu.memory_space<vmem>>, vector<1x64xf32>
    %add3A_127 = vector.broadcast %get3A_126 : vector<1x64xf32> to vector<1000x64xf32>
    %add3A_128 = arith.addf %dot_general3A_123, %add3A_127 : vector<1000x64xf32>
    %integer_pow3A_129 = arith.mulf %add3A_128, %add3A_128 : vector<1000x64xf32>
    %integer_pow3A_130 = arith.mulf %add3A_128, %integer_pow3A_129 : vector<1000x64xf32>
    %mul3A_131 = arith.constant 4.471500e-02 : f32
    %mul3A_132 = vector.broadcast %mul3A_131 : f32 to vector<1000x64xf32>
    %mul3A_133 = arith.mulf %mul3A_132, %integer_pow3A_130 : vector<1000x64xf32>
    %add3A_134 = arith.addf %add3A_128, %mul3A_133 : vector<1000x64xf32>
    %mul3A_135 = arith.constant 0.797884583 : f32
    %mul3A_136 = vector.broadcast %mul3A_135 : f32 to vector<1000x64xf32>
    %mul3A_137 = arith.mulf %mul3A_136, %add3A_134 : vector<1000x64xf32>
    %tanh3A_138 = math.tanh %mul3A_137 : vector<1000x64xf32>
    %add3A_139 = arith.constant 1.000000e+00 : f32
    %add3A_140 = vector.broadcast %add3A_139 : f32 to vector<1000x64xf32>
    %add3A_141 = arith.addf %add3A_140, %tanh3A_138 : vector<1000x64xf32>
    %mul3A_142 = arith.constant 5.000000e-01 : f32
    %mul3A_143 = vector.broadcast %mul3A_142 : f32 to vector<1000x64xf32>
    %mul3A_144 = arith.mulf %mul3A_143, %add3A_141 : vector<1000x64xf32>
    %mul3A_145 = arith.mulf %add3A_128, %mul3A_144 : vector<1000x64xf32>
    %get3A_146 = arith.constant 0 : index
    %get3A_147 = arith.constant 0 : index
    %get3A_148 = vector.load %arg16[%get3A_146, %get3A_147] : memref<64x64xf32, #tpu.memory_space<vmem>>, vector<64x64xf32>
    %dot_general3A_149 = arith.constant dense<0.000000e+00> : vector<1000x64xf32>
    %dot_general3A_150 = tpu.matmul %mul3A_145, %get3A_148, %dot_general3A_149 {dimension_numbers = #tpu.dot_dimension_numbers<[1], [0], [0], [1], [0, 0, 1, 1], [], []>, transpose_lhs_hint = false} : vector<1000x64xf32>, vector<64x64xf32>, vector<1000x64xf32> -> vector<1000x64xf32>
    %get3A_151 = arith.constant 0 : index
    %get3A_152 = arith.constant 0 : index
    %get3A_153 = vector.load %arg17[%get3A_151, %get3A_152] : memref<1x64xf32, #tpu.memory_space<vmem>>, vector<1x64xf32>
    %add3A_154 = vector.broadcast %get3A_153 : vector<1x64xf32> to vector<1000x64xf32>
    %add3A_155 = arith.addf %dot_general3A_150, %add3A_154 : vector<1000x64xf32>
    %integer_pow3A_156 = arith.mulf %add3A_155, %add3A_155 : vector<1000x64xf32>
    %integer_pow3A_157 = arith.mulf %add3A_155, %integer_pow3A_156 : vector<1000x64xf32>
    %mul3A_158 = arith.constant 4.471500e-02 : f32
    %mul3A_159 = vector.broadcast %mul3A_158 : f32 to vector<1000x64xf32>
    %mul3A_160 = arith.mulf %mul3A_159, %integer_pow3A_157 : vector<1000x64xf32>
    %add3A_161 = arith.addf %add3A_155, %mul3A_160 : vector<1000x64xf32>
    %mul3A_162 = arith.constant 0.797884583 : f32
    %mul3A_163 = vector.broadcast %mul3A_162 : f32 to vector<1000x64xf32>
    %mul3A_164 = arith.mulf %mul3A_163, %add3A_161 : vector<1000x64xf32>
    %tanh3A_165 = math.tanh %mul3A_164 : vector<1000x64xf32>
    %add3A_166 = arith.constant 1.000000e+00 : f32
    %add3A_167 = vector.broadcast %add3A_166 : f32 to vector<1000x64xf32>
    %add3A_168 = arith.addf %add3A_167, %tanh3A_165 : vector<1000x64xf32>
    %mul3A_169 = arith.constant 5.000000e-01 : f32
    %mul3A_170 = vector.broadcast %mul3A_169 : f32 to vector<1000x64xf32>
    %mul3A_171 = arith.mulf %mul3A_170, %add3A_168 : vector<1000x64xf32>
    %mul3A_172 = arith.mulf %add3A_155, %mul3A_171 : vector<1000x64xf32>
    %get3A_173 = arith.constant 0 : index
    %get3A_174 = arith.constant 0 : index
    %get3A_175 = vector.load %arg18[%get3A_173, %get3A_174] : memref<64x1xf32, #tpu.memory_space<vmem>>, vector<64x1xf32>
    %dot_general3A_176 = arith.constant dense<0.000000e+00> : vector<1000x1xf32>
    %dot_general3A_177 = tpu.matmul %mul3A_172, %get3A_175, %dot_general3A_176 {dimension_numbers = #tpu.dot_dimension_numbers<[1], [0], [0], [1], [0, 0, 1, 1], [], []>, transpose_lhs_hint = false} : vector<1000x64xf32>, vector<64x1xf32>, vector<1000x1xf32> -> vector<1000x1xf32>
    %get3A_178 = arith.constant 0 : index
    %get3A_179 = arith.constant 0 : index
    %get3A_180 = vector.load %arg19[%get3A_178, %get3A_179] : memref<1x1xf32, #tpu.memory_space<vmem>>, vector<1x1xf32>
    %add3A_181 = vector.broadcast %get3A_180 : vector<1x1xf32> to vector<1000x1xf32>
    %add3A_182 = arith.addf %dot_general3A_177, %add3A_181 : vector<1000x1xf32>
    %swap3A = arith.constant 0 : index
    %swap3A_183 = arith.constant 0 : index
    %swap3A_184 = vector.load %arg20[%swap3A, %swap3A_183] : memref<1000x1xf32, #tpu.memory_space<vmem>>, vector<1000x1xf32>
    tpu.vector_store %arg20[%swap3A, %swap3A_183], %add3A_182 {strides = array<i32>} : memref<1000x1xf32, #tpu.memory_space<vmem>>, vector<1000x1xf32>,
    return
  }
  func.func @transform_0(%arg0: i32) -> (i32, i32) {
    %c0_i32 = arith.constant 0 : i32
    %c0_i32_0 = arith.constant 0 : i32
    return %arg0, %c0_i32 : i32, i32
  }
  func.func @transform_1(%arg0: i32) -> (i32, i32) {
    %c0_i32 = arith.constant 0 : i32
    %c0_i32_0 = arith.constant 0 : i32
    return %arg0, %c0_i32 : i32, i32
  }
  func.func @transform_2(%arg0: i32) -> (i32, i32) {
    %c0_i32 = arith.constant 0 : i32
    %c0_i32_0 = arith.constant 0 : i32
    return %arg0, %c0_i32 : i32, i32
  }
  func.func @transform_3(%arg0: i32) -> (i32, i32) {
    %c0_i32 = arith.constant 0 : i32
    %c0_i32_0 = arith.constant 0 : i32
    return %arg0, %c0_i32 : i32, i32
  }
  func.func @transform_4(%arg0: i32) -> (i32, i32) {
    %c0_i32 = arith.constant 0 : i32
    %c0_i32_0 = arith.constant 0 : i32
    %c0_i32_1 = arith.constant 0 : i32
    return %c0_i32, %c0_i32_0 : i32, i32
  }
  func.func @transform_5(%arg0: i32) -> (i32, i32) {
    %c0_i32 = arith.constant 0 : i32
    %c0_i32_0 = arith.constant 0 : i32
    %c0_i32_1 = arith.constant 0 : i32
    return %c0_i32, %c0_i32_0 : i32, i32
  }
  func.func @transform_6(%arg0: i32) -> (i32, i32) {
    %c0_i32 = arith.constant 0 : i32
    %c0_i32_0 = arith.constant 0 : i32
    %c0_i32_1 = arith.constant 0 : i32
    return %c0_i32, %c0_i32_0 : i32, i32
  }
  func.func @transform_7(%arg0: i32) -> (i32, i32) {
    %c0_i32 = arith.constant 0 : i32
    %c0_i32_0 = arith.constant 0 : i32
    %c0_i32_1 = arith.constant 0 : i32
    return %c0_i32, %c0_i32_0 : i32, i32
  }
  func.func @transform_8(%arg0: i32) -> (i32, i32) {
    %c0_i32 = arith.constant 0 : i32
    %c0_i32_0 = arith.constant 0 : i32
    %c0_i32_1 = arith.constant 0 : i32
    return %c0_i32, %c0_i32_0 : i32, i32
  }
  func.func @transform_9(%arg0: i32) -> (i32, i32) {
    %c0_i32 = arith.constant 0 : i32
    %c0_i32_0 = arith.constant 0 : i32
    %c0_i32_1 = arith.constant 0 : i32
    return %c0_i32, %c0_i32_0 : i32, i32
  }
  func.func @transform_10(%arg0: i32) -> (i32, i32) {
    %c0_i32 = arith.constant 0 : i32
    %c0_i32_0 = arith.constant 0 : i32
    %c0_i32_1 = arith.constant 0 : i32
    return %c0_i32, %c0_i32_0 : i32, i32
  }
  func.func @transform_11(%arg0: i32) -> (i32, i32) {
    %c0_i32 = arith.constant 0 : i32
    %c0_i32_0 = arith.constant 0 : i32
    %c0_i32_1 = arith.constant 0 : i32
    return %c0_i32, %c0_i32_0 : i32, i32
  }
  func.func @transform_12(%arg0: i32) -> (i32, i32) {
    %c0_i32 = arith.constant 0 : i32
    %c0_i32_0 = arith.constant 0 : i32
    %c0_i32_1 = arith.constant 0 : i32
    return %c0_i32, %c0_i32_0 : i32, i32
  }
  func.func @transform_13(%arg0: i32) -> (i32, i32) {
    %c0_i32 = arith.constant 0 : i32
    %c0_i32_0 = arith.constant 0 : i32
    %c0_i32_1 = arith.constant 0 : i32
    return %c0_i32, %c0_i32_0 : i32, i32
  }
  func.func @transform_14(%arg0: i32) -> (i32, i32) {
    %c0_i32 = arith.constant 0 : i32
    %c0_i32_0 = arith.constant 0 : i32
    %c0_i32_1 = arith.constant 0 : i32
    return %c0_i32, %c0_i32_0 : i32, i32
  }
  func.func @transform_15(%arg0: i32) -> (i32, i32) {
    %c0_i32 = arith.constant 0 : i32
    %c0_i32_0 = arith.constant 0 : i32
    %c0_i32_1 = arith.constant 0 : i32
    return %c0_i32, %c0_i32_0 : i32, i32
  }
  func.func @transform_16(%arg0: i32) -> (i32, i32) {
    %c0_i32 = arith.constant 0 : i32
    %c0_i32_0 = arith.constant 0 : i32
    %c0_i32_1 = arith.constant 0 : i32
    return %c0_i32, %c0_i32_0 : i32, i32
  }
  func.func @transform_17(%arg0: i32) -> (i32, i32) {
    %c0_i32 = arith.constant 0 : i32
    %c0_i32_0 = arith.constant 0 : i32
    %c0_i32_1 = arith.constant 0 : i32
    return %c0_i32, %c0_i32_0 : i32, i32
  }
  func.func @transform_18(%arg0: i32) -> (i32, i32) {
    %c0_i32 = arith.constant 0 : i32
    %c0_i32_0 = arith.constant 0 : i32
    %c0_i32_1 = arith.constant 0 : i32
    return %c0_i32, %c0_i32_0 : i32, i32
  }
  func.func @transform_19(%arg0: i32) -> (i32, i32) {
    %c0_i32 = arith.constant 0 : i32
    %c0_i32_0 = arith.constant 0 : i32
    return %arg0, %c0_i32 : i32, i32
  }
}

</mosaic_0001>

<sc_bundles>
// kernel: kernel.5.cloned.1.call-start
scs
__scs_entry_jumppad:
0x0: {  	(pc) =	sbr.rel $0x88, $3  }
0x1: {  	(tag) =	ssettag $0x0;
	lr =	simm.s32 $0x1  }
0x2: {  	[smem:$0x3F8A] =	sst lr;
	_ =	strace $0xD0000000  }
0x3: {  	_ = 	snop  }
0x4: {  	_ = 	snop  }
0x5: {  	_ = 	snop  }
0x6: {  	_ = 	snop  }
0x7: {  	_ = 	snop  }
__scs_overlays_trampoline_lowered:
0x8: {  	[smem:$0x3F99] =	sst s0  }
0x9: {  	[smem:$0x3F9A] =	sst s1  }
0xa: {  	[smem:$0x3F9B] =	sst s2  }
0xb: {  	[smem:$0x3F9C] =	sst s3  }
0xc: {  	[smem:$0x3F9D] =	sst s4  }
0xd: {  	[smem:$0x3F9E] =	sst s5  }
0xe: {  	[smem:$0x3F9F] =	sst s6  }
0xf: {  	[smem:$0x3FA0] =	sst s7  }
0x10: {  	[smem:$0x3FA1] =	sst s8  }
0x11: {  	[smem:$0x3FA2] =	sst s9;
	s0 =	simm.s32 @!p0 $0x0  }
0x12: {  	s1 =	sld [smem:$0x3F88];
	s0 =	simm.s32 @p0 $0x1  }
0x13: {  	[smem:$0x3FA3] =	sst s0;
	s0 =	simm.s32 @!p1 $0x0  }
0x14: {  	s2 =	sld [smem:$0x3F87];
	s0 =	simm.s32 @p1 $0x1  }
0x15: {  	[smem:$0x3FA4] =	sst s0;
	s0 =	simm.s32 @!p2 $0x0  }
0x16: {  	s3 =	sld [smem:$0x3FDB];
	s0 =	simm.s32 @p2 $0x1  }
0x17: {  	s4 =	simm.s32 $0x1BF5;
	[smem:$0x3FA6] =	sst s0  }
0x18: {  	s0 =	sld [smem:$0x3F89];
	_ =	swait.ge [sflag:s4], $0x0  }
0x19: {  	s7 =	sld [smem:$0x3F8A]  }
0x1a: {  	s8 =	sadd.s32 $0xFFFFE003, lr  }
0x1b: {  	s9 =	sadd.s32 $0xFFFFFEF7, lr;
	s5 =	simm.s32 $0xFFFFFFFF;
	p2 =	slt.u32 s8, $0xFFFFF086  }
0x1c: {  	p1 =	slt.u32 s9, $0xF7A;
	s5 =	simm.s32 @!p2 $0x0  }
0x1d: {  	s5 =	simm.s32 @p1 $0x1;
	p0 =	seq.s32 s7, s2  }
0x1e: {  	s7 =	smul.u32 @!p0 $0xF7A, s2;
	p2 =	seq.s32 @!p0 s5, $0x0  }
0x1f: {  	s9 =	smul.u32 $0xF7A, s1;
	s8 =	simm.s32 @!p0 $0x1BF5;
	p2 =	por !p2, p0  }
0x20: {  	[sflag:s8] =	ssyncset.s32 @!p0 $0xFFFFF086;
	s6 =	sadd.s32 @!p0 s3, s7;
	s7 =	simm.s32 @!p0 $0x108  }
0x21: {  	s3 =	sadd.s32 s3, s9;
	s6 =	sadd.s32 @!p0 $0x88, s6;
	s7 =	simm.s32 @p2 $0x1082  }
0x22: {  	[simem:s7], [sflag:s8] =	dma.local @!p0 [hbm:s6], $0xF7A  }
0x23: {  	s9 =	sor.u32 $0xD0000000, s2;
	s6 =	simm.s32 $0x108;
	_ =	swait.ge @!p0 [sflag:s8], $0x0  }
0x24: {  	s3 =	sadd.s32 $0x88, s3;
	s6 =	simm.s32 @!p1 $0x1082;
	[sflag:s4] =	ssyncset.s32 $0xFFFFF086  }
0x25: {  	[simem:s6], [sflag:s4] =	dma.local [hbm:s3], $0xF7A  }
0x26: {  	[smem:$0x3F8A] =	sst s1;
	(tag) =	ssettag s2;
	_ =	strace s9  }
0x27: {  	s1 =	sld [smem:$0x3F9A]  }
0x28: {  	s2 =	sld [smem:$0x3F9B]  }
0x29: {  	s4 =	sld [smem:$0x3F9D]  }
0x2a: {  	p0 =	seq.s32 s5, $0x0;
	s5 =	sld [smem:$0x3F9E]  }
0x2b: {  	s6 =	sld [smem:$0x3F9F]  }
0x2c: {  	s7 =	sld [smem:$0x3FA0]  }
0x2d: {  	s3 =	simm.s32 $0x108;
	s8 =	sld [smem:$0x3FA1]  }
0x2e: {  	s3 =	simm.s32 @!p0 $0x1082;
	s9 =	sld [smem:$0x3FA2]  }
0x2f: {  	lr =	sadd.s32 s0, s3;
	s0 =	sld [smem:$0x3F99]  }
0x30: {  	s3 =	sld [smem:$0x3F9C]  }
0x31: {  	[smem:$0x3FA5] =	sst s10  }
0x32: {  	s10 =	sld [smem:$0x3FA3];
	_ =	sdelay $0x3  }
0x33: {  	p0 =	seq.s32 s10, $0x1;
	s10 =	sld [smem:$0x3FA5];
	_ =	sdelay $0x3  }
0x34: {  	[smem:$0x3FA5] =	sst s10  }
0x35: {  	s10 =	sld [smem:$0x3FA4];
	_ =	sdelay $0x3  }
0x36: {  	p1 =	seq.s32 s10, $0x1;
	s10 =	sld [smem:$0x3FA5];
	_ =	sdelay $0x3  }
0x37: {  	[smem:$0x3FA5] =	sst s10  }
0x38: {  	s10 =	sld [smem:$0x3FA6]  }
0x39: {  	_ = 	snop;
	(pc) =	sbr.ind lr, $3  }
0x3a: {  	_ = 	snop  }
0x3b: {  	_ = 	snop  }
0x3c: {  	p2 =	seq.s32 s10, $0x1;
	s10 =	sld [smem:$0x3FA5]  }
0x3d: {  	_ =	shalt  }
0x3e: {  	_ =	shalt  }
0x3f: {  	_ =	shalt  }
0x40: {  	_ =	shalt  }
0x41: {  	_ =	shalt  }
0x42: {  	_ =	shalt  }
0x43: {  	_ =	shalt  }
0x44: {  	_ =	shalt  }
0x45: {  	_ =	shalt  }
0x46: {  	_ =	shalt  }
0x47: {  	_ =	shalt  }
0x48: {  	_ =	shalt  }
0x49: {  	_ =	shalt  }
0x4a: {  	_ =	shalt  }
0x4b: {  	_ =	shalt  }
0x4c: {  	_ =	shalt  }
0x4d: {  	_ =	shalt  }
0x4e: {  	_ =	shalt  }
0x4f: {  	_ =	shalt  }
0x50: {  	_ =	shalt  }
0x51: {  	_ =	shalt  }
0x52: {  	_ =	shalt  }
0x53: {  	_ =	shalt  }
0x54: {  	_ =	shalt  }
0x55: {  	_ =	shalt  }
0x56: {  	_ =	shalt  }
0x57: {  	_ =	shalt  }
0x58: {  	_ =	shalt  }
0x59: {  	_ =	shalt  }
0x5a: {  	_ =	shalt  }
0x5b: {  	_ =	shalt  }
0x5c: {  	_ =	shalt  }
0x5d: {  	_ =	shalt  }
0x5e: {  	_ =	shalt  }
0x5f: {  	_ =	shalt  }
0x60: {  	_ =	shalt  }
0x61: {  	_ =	shalt  }
0x62: {  	_ =	shalt  }
0x63: {  	_ =	shalt  }
0x64: {  	_ =	shalt  }
0x65: {  	_ =	shalt  }
0x66: {  	_ =	shalt  }
0x67: {  	_ =	shalt  }
0x68: {  	_ =	shalt  }
0x69: {  	_ =	shalt  }
0x6a: {  	_ =	shalt  }
0x6b: {  	_ =	shalt  }
0x6c: {  	_ =	shalt  }
0x6d: {  	_ =	shalt  }
0x6e: {  	_ =	shalt  }
0x6f: {  	_ =	shalt  }
0x70: {  	_ =	shalt  }
0x71: {  	_ =	shalt  }
0x72: {  	_ =	shalt  }
0x73: {  	_ =	shalt  }
0x74: {  	_ =	shalt  }
0x75: {  	_ =	shalt  }
0x76: {  	_ =	shalt  }
0x77: {  	_ =	shalt  }
0x78: {  	_ =	shalt  }
0x79: {  	_ =	shalt  }
0x7a: {  	_ =	shalt  }
0x7b: {  	_ =	shalt  }
0x7c: {  	_ =	shalt  }
0x7d: {  	_ =	shalt  }
0x7e: {  	_ =	shalt  }
0x7f: {  	_ =	shalt  }
0x80: {  	_ =	shalt  }
0x81: {  	_ =	shalt  }
0x82: {  	_ =	shalt  }
0x83: {  	_ =	shalt  }
0x84: {  	_ =	shalt  }
0x85: {  	_ =	shalt  }
0x86: {  	_ =	shalt  }
0x87: {  	_ =	shalt  }
.Lfunc_end0:
.L_simem_size_0:
called_computation_lowered:
.L_overlay_start_0:
0x88: {  	s2 =	sld [smem:$0x3FD9]  }
0x89: {  	s3 =	sld [smem:$0x3FFE];
	_ =	sdelay $0x1  }
0x8a: {  	s1 =	srdreg.scid  }
0x8b: {  	s0 =	sand.u32 $0x1, s1  }
0x8c: {  	s17 =	sshll.u32 s0, $0xA;
	s2 =	sadd.s32 s3, s2  }
0x8d: {  	s2 =	sadd.s32 s2, s17  }
0x8e: {  	[smem:$0x3FB1] =	sst s2  }
0x8f: {  	_ = 	snop  }
0x90: {  	s2 =	sld [smem:$0x3FC7];
	(tm) =	ssettm $0x1  }
0x91: {  	s18 =	sld [smem:$0x3FFB];
	_ =	sdelay $0x3  }
0x92: {  	_ =	strace s18  }
0x93: {  	s3 =	sld [smem:$0x3FFC];
	_ =	sdelay $0x3  }
0x94: {  	_ =	strace s3  }
0x95: {  	s3 =	sld [smem:$0x3FFD];
	_ =	sdelay $0x3  }
0x96: {  	_ =	strace s3  }
0x97: {  	_ =	strace $0x8FFFFFFF  }
0x98: {  	s19 =	sld [smem:$0x3FDB];
	_ =	sdelay $0x1  }
0x99: {  	s4 =	simm.s32 $_scs_section_size  }
0x9a: {  	s5 =	simm.s32 $_size__tile_overlayer_lowered;
	s6 =	simm.s32 $_tile_overlayer_lowered  }
0x9b: {  	s22 =	simm.s32 $0x1BFF;
	s21 =	sshll.u32 s6, $0x1;
	s3 =	sadd.s32 s4, s19  }
0x9c: {  	s7 =	simm.s32 $0x0;
	s20 =	sshll.u32 s5, $0x1;
	s5 =	sadd.s32 s21, s3  }
0x9d: {  	[timem:s7], [sflag:s22] =	dma.local [hbm:s5], s20  }
0x9e: {  	_ =	swait.ge [sflag:s22], s20  }
0x9f: {  	s4 =	ssub.s32 $0x0, s20;
	[sflag:s22] =	ssyncset.done $0x0  }
0xa0: {  	[sflag:s22] =	ssyncadd.s32 s4;
	_ =	sdelay $0x1  }
0xa1: {  	s23 =	simm.s32 $0x1B8B  }
0xa2: {  	_ =	swait.ge [sflag:s23], $0x1  }
0xa3: {  	[sflag:s23] =	ssyncset.done $0x0  }
0xa4: {  	s25 =	simm.s32 $0x1B8E;
	s24 =	sld [smem:$0x3FFE];
	[sflag:s23] =	ssyncadd.s32 $0xFFFFFFFF  }
0xa5: {  	s26 =	simm.s32 $execute0_lowered;
	[smem:$0x3FD2] =	sst s25  }
0xa6: {  	s5 =	sshll.u32 s26, $0x1;
	_ =	strace $0x80000046;
	[dreg:$0x1] =	wrdreg $0xFFFFFFFF  }
0xa7: {  	s28 =	simm.s32 $_size_execute0_lowered;
	s3 =	sadd.s32 s3, s5;
	[dreg:$0x0] =	wrdreg $0x0  }
0xa8: {  	s5 =	sshll.u32 s28, $0x1;
	[dreg:$0x2] =	wrdreg s3  }
0xa9: {  	[dreg:$0x3] =	wrdreg s5  }
0xaa: {  	[dreg:$0x4] =	wrdreg $0xC0  }
0xab: {  	_ =	task [dreg:s7], $0x5FFFF  }
0xac: {  	[dreg:$0x1] =	wrdreg $0xFFFFFFFF  }
0xad: {  	[dreg:$0x0] =	wrdreg $0x60  }
0xae: {  	[dreg:$0x2] =	wrdreg s24  }
0xaf: {  	[dreg:$0x3] =	wrdreg s2  }
0xb0: {  	[dreg:$0x4] =	wrdreg $0x9  }
0xb1: {  	_ =	task.clear_ibuf [dreg:s7], $0x5FFFF;
	_ =	strace $0x90000046  }
0xb2: {  	s29 =	simm.s32 $0x9;
	_ =	strace $0x80000048  }
0xb3: {  	_ =	swait.ge [sflag:s29], $0x1  }
0xb4: {  	[sflag:s29] =	ssyncadd.s32 $0xFFFFFFFF  }
0xb5: {  	_ =	strace $0x90000048  }
0xb6: {  	_ =	sfence  }
0xb7: {  	s30 =	sld [smem:$0x0];
	_ =	sdelay $0x2  }
0xb8: {  	s31 =	sshll.u32 s1, $0xD;
	s1 =	sshrl.u32 s1, $0x2  }
0xb9: {  	s3 =	sand.u32 $0x4000, s31;
	s1 =	sadd.s32 s1, s30  }
0xba: {  	s0 =	sor.u32 s3, s0;
	s1 =	sshll.u32 s1, $0x11  }
0xbb: {  	s0 =	sor.u32 s1, s0  }
0xbc: {  	s0 =	sadd.s32 $0x8F2B, s0  }
0xbd: {  	[sflag:s0] =	ssyncadd.remote.s32 $0x1  }
0xbe: {  	_ =	sfence.sel $0xFFFF  }
0xbf: {  	[dreg:$0x0] =	wrdreg $0xFFFFFFFF;
	(pc) =	sbr.abs _section_cstart, $3  }
0xc0: {  	[dreg:$0x1] =	wrdreg $0xFFFFFFFF  }
0xc1: {  	_ =	task.clear_ibuf [dreg:s7], $0x2FFFF;
	_ =	strace $0x9FFFFFFF  }
0xc2: {  	(tm) =	ssettm $0x7FFFFFFF  }
0xc3: {  	_ =	shalt  }
tec
execute0_lowered:
.L_overlay_start_1:
0x0: {  	(tag) =	ssettag $0x1  }
0x1: {  	s0 =	srdreg.scid  }
0x2: {  	s2 =	stileid.u32;
	s5 =	rddreg [dreg:$0x0]  }
0x3: {  	s7 =	rddreg [dreg:$0x1];
	s13 =	simm.s32 $0x1500;
	s15 =	simm.s32 $0xAD00  }
0x4: {  	s17 =	simm.s32 $0x2500;
	s18 =	simm.s32 $0xB500;
	s19 =	simm.s32 $0x3500  }
0x5: {  	s0 =	sand.u32 $0x1, s0;
	s1 =	sshll.u32 s2, $0x1;
	s2 =	smul.u32 $0x26, s2  }
0x6: {  	s1 =	sor.u32 s0, s1;
	s4 =	smul.u32 $0x13, s0;
	s0 =	ssub.s32 $0x2, s0  }
0x7: {  	s3 =	smin.u32 s1, $0x11;
	s12 =	sshrl.u32 s0, $0x1;
	p0 =	slt.u32 s1, $0x11  }
0x8: {  	s1 =	simm.s32 $0x14;
	s3 =	sadd.s32 s2, s3;
	s2 =	simm.s32 $0x0  }
0x9: {  	s0 =	ssub.s32 s0, s12;
	s1 =	simm.s32 @!p0 $0x13;
	[smem:$0x7FF] =	sst s2  }
0xa: {  	s0 =	smax.u32 s0, $0x1;
	_ =	strace $0x80000047;
	[dreg:$0xf] =	wrdreg s1  }
0xb: {  	s10 =	simm.s32 $0x3;
	s20 =	simm.s32 $0xBD00;
	[dreg:$0x10] =	wrdreg s0  }
0xc: {  	s11 =	simm.s32 $0x80;
	s21 =	simm.s32 $0x4500;
	[dreg:$0x3] =	wrdreg s13  }
0xd: {  	s22 =	simm.s32 $0xC500;
	s23 =	simm.s32 $0x5500;
	[dreg:$0x4] =	wrdreg s15  }
0xe: {  	s24 =	simm.s32 $0xCD00;
	s25 =	simm.s32 $0x6500;
	[dreg:$0x5] =	wrdreg s17  }
0xf: {  	s26 =	simm.s32 $0xD500;
	s28 =	simm.s32 $0xED00;
	[dreg:$0x6] =	wrdreg s18  }
0x10: {  	s29 =	simm.s32 $0x1;
	s30 =	simm.s32 $0x2;
	[dreg:$0x7] =	wrdreg s19  }
0x11: {  	s31 =	simm.s32 $0x0;
	s6 =	sadd.s32 s4, s3;
	[dreg:$0x8] =	wrdreg s20  }
0x12: {  	s12 =	simm.s32 $0x500;
	s8 =	smul.u32 $0x1400, s6;
	[dreg:$0x9] =	wrdreg s21  }
0x13: {  	s3 =	sadd.s32 $0x3400, s5;
	s9 =	smul.u32 $0xA00, s6;
	[dreg:$0xa] =	wrdreg s22  }
0x14: {  	s4 =	sadd.s32 $0x34200, s5;
	s16 =	smul.u32 $0xA0, s6;
	[dreg:$0xb] =	wrdreg s23  }
0x15: {  	s13 =	simm.s32 $0xA500;
	s15 =	simm.s32 $0x180;
	[dreg:$0xc] =	wrdreg s24  }
0x16: {  	[dreg:$0xd] =	wrdreg s25;
	s17 =	simm.s32 $0x280;
	s18 =	simm.s32 $0x300  }
0x17: {  	[dreg:$0xe] =	wrdreg s26;
	s19 =	simm.s32 $0x380;
	s20 =	simm.s32 $0x7500  }
0x18: {  	s21 =	simm.s32 $0xDD00;
	s22 =	simm.s32 $0x400;
	s23 =	simm.s32 $0x8500  }
0x19: {  	s24 =	simm.s32 $0xE500;
	s25 =	simm.s32 $0x480;
	s26 =	simm.s32 $0x9500  }
0x1a: {  	s8 =	sadd.s32 s8, s5;
	s9 =	sadd.s32 s9, s5;
	s1 =	sadd.s32 s16, s7  }
0x1b: {  	s16 =	simm.s32 $0x200;
	s14 =	sadd.s32 $0x24D600, s9;
	[dreg:$0x12] =	wrdreg s1  }
0x1c: {  	s6 =	sadd.s32 $0x3D4000, s8;
	[dreg:$0x11] =	wrdreg s14;
	s14 =	simm.s32 $0x100  }
.LBB2_1:
0x1d: {  	s5 =	rddreg [dreg:$0x12]  }
0x1e: {  	[tilespmem:s2], [sflag:$0x3] =	stream.linear.gather [hbm4b:s5+s2], $0x500, $0x38;
	[tilespmem:$0xF500] =	vst v63  }
0x1f: {  	_ =	swait.ge [sflag:s10], $0x500  }
0x20: {  	[sflag:s10] =	ssyncset.done $0x0  }
0x21: {  	[sflag:s10] =	ssyncadd.s32 $0xFFFFFB00  }
0x22: {  	[tilespmem:s12], [sflag:$0x1] =	stream.indirect.gather [hbm4b:s3+s11], $0x20, s2, s11, $0xb8;
	[tilespmem:$0xF500] =	vst v63  }
0x23: {  	_ = 	snop  }
0x24: {  	[tilespmem:s13], [sflag:$0x2] =	stream.indirect.gather [hbm4b:s4+s11], $0x10, s2, s11, $0xb8;
	[tilespmem:$0xF500] =	vst v63  }
0x25: {  	s0 =	rddreg [dreg:$0x3]  }
0x26: {  	[tilespmem:s0], [sflag:$0x1] =	stream.indirect.gather [hbm4b:s3+s11], $0x20, s11, s11, $0xb8;
	[tilespmem:$0xF500] =	vst v63  }
0x27: {  	s1 =	rddreg [dreg:$0x4]  }
0x28: {  	[tilespmem:s1], [sflag:$0x2] =	stream.indirect.gather [hbm4b:s4+s11], $0x10, s11, s11, $0xb8;
	[tilespmem:$0xF500] =	vst v63  }
0x29: {  	s8 =	rddreg [dreg:$0x5]  }
0x2a: {  	[tilespmem:s8], [sflag:$0x1] =	stream.indirect.gather [hbm4b:s3+s11], $0x20, s14, s11, $0xb8;
	[tilespmem:$0xF500] =	vst v63  }
0x2b: {  	s9 =	rddreg [dreg:$0x6]  }
0x2c: {  	[tilespmem:s9], [sflag:$0x2] =	stream.indirect.gather [hbm4b:s4+s11], $0x10, s14, s11, $0xb8;
	[tilespmem:$0xF500] =	vst v63  }
0x2d: {  	s7 =	rddreg [dreg:$0x7]  }
0x2e: {  	[tilespmem:s7], [sflag:$0x1] =	stream.indirect.gather [hbm4b:s3+s11], $0x20, s15, s11, $0xb8;
	[tilespmem:$0xF500] =	vst v63  }
0x2f: {  	s8 =	rddreg [dreg:$0x8]  }
0x30: {  	[tilespmem:s8], [sflag:$0x2] =	stream.indirect.gather [hbm4b:s4+s11], $0x10, s15, s11, $0xb8;
	[tilespmem:$0xF500] =	vst v63  }
0x31: {  	s9 =	rddreg [dreg:$0x9]  }
0x32: {  	[tilespmem:s9], [sflag:$0x1] =	stream.indirect.gather [hbm4b:s3+s11], $0x20, s16, s11, $0xb8;
	[tilespmem:$0xF500] =	vst v63  }
0x33: {  	s7 =	rddreg [dreg:$0xa]  }
0x34: {  	[tilespmem:s7], [sflag:$0x2] =	stream.indirect.gather [hbm4b:s4+s11], $0x10, s16, s11, $0xb8;
	[tilespmem:$0xF500] =	vst v63  }
0x35: {  	s8 =	rddreg [dreg:$0xb]  }
0x36: {  	[tilespmem:s8], [sflag:$0x1] =	stream.indirect.gather [hbm4b:s3+s11], $0x20, s17, s11, $0xb8;
	[tilespmem:$0xF500] =	vst v63  }
0x37: {  	s9 =	rddreg [dreg:$0xc]  }
0x38: {  	[tilespmem:s9], [sflag:$0x2] =	stream.indirect.gather [hbm4b:s4+s11], $0x10, s17, s11, $0xb8;
	[tilespmem:$0xF500] =	vst v63  }
0x39: {  	s7 =	rddreg [dreg:$0xd]  }
0x3a: {  	[tilespmem:s7], [sflag:$0x1] =	stream.indirect.gather [hbm4b:s3+s11], $0x20, s18, s11, $0xb8;
	[tilespmem:$0xF500] =	vst v63  }
0x3b: {  	s8 =	rddreg [dreg:$0xe]  }
0x3c: {  	[tilespmem:s8], [sflag:$0x2] =	stream.indirect.gather [hbm4b:s4+s11], $0x10, s18, s11, $0xb8;
	[tilespmem:$0xF500] =	vst v63  }
0x3d: {  	_ = 	snop  }
0x3e: {  	[tilespmem:s20], [sflag:$0x1] =	stream.indirect.gather [hbm4b:s3+s11], $0x20, s19, s11, $0xb8;
	[tilespmem:$0xF500] =	vst v63  }
0x3f: {  	_ = 	snop  }
0x40: {  	[tilespmem:s21], [sflag:$0x2] =	stream.indirect.gather [hbm4b:s4+s11], $0x10, s19, s11, $0xb8;
	[tilespmem:$0xF500] =	vst v63  }
0x41: {  	_ = 	snop  }
0x42: {  	[tilespmem:s23], [sflag:$0x1] =	stream.indirect.gather [hbm4b:s3+s11], $0x20, s22, s11, $0xb8;
	[tilespmem:$0xF500] =	vst v63  }
0x43: {  	_ = 	snop  }
0x44: {  	[tilespmem:s24], [sflag:$0x2] =	stream.indirect.gather [hbm4b:s4+s11], $0x10, s22, s11, $0xb8;
	[tilespmem:$0xF500] =	vst v63  }
0x45: {  	_ = 	snop  }
0x46: {  	[tilespmem:s26], [sflag:$0x1] =	stream.indirect.gather [hbm4b:s3+s11], $0x20, s25, s11, $0xb8;
	[tilespmem:$0xF500] =	vst v63  }
0x47: {  	_ = 	snop  }
0x48: {  	[tilespmem:s28], [sflag:$0x2] =	stream.indirect.gather [hbm4b:s4+s11], $0x10, s25, s11, $0xb8;
	[tilespmem:$0xF500] =	vst v63  }
0x49: {  	_ =	swait.ge [sflag:s29], $0x1000  }
0x4a: {  	[sflag:s29] =	ssyncset.done $0x0  }
0x4b: {  	[sflag:s29] =	ssyncadd.s32 $0xFFFFF000  }
0x4c: {  	_ =	swait.ge [sflag:s30], $0x800  }
0x4d: {  	[sflag:s30] =	ssyncset.done $0x0  }
0x4e: {  	[sflag:s30] =	ssyncadd.s32 $0xFFFFF800  }
0x4f: {  	_ =	swait.ge [sflag:s29], $0x1000  }
0x50: {  	[sflag:s29] =	ssyncset.done $0x0  }
0x51: {  	[sflag:s29] =	ssyncadd.s32 $0xFFFFF000  }
0x52: {  	_ =	swait.ge [sflag:s30], $0x800  }
0x53: {  	[sflag:s30] =	ssyncset.done $0x0  }
0x54: {  	[sflag:s30] =	ssyncadd.s32 $0xFFFFF800  }
0x55: {  	_ =	swait.ge [sflag:s29], $0x1000  }
0x56: {  	[sflag:s29] =	ssyncset.done $0x0  }
0x57: {  	[sflag:s29] =	ssyncadd.s32 $0xFFFFF000  }
0x58: {  	_ =	swait.ge [sflag:s30], $0x800  }
0x59: {  	[sflag:s30] =	ssyncset.done $0x0  }
0x5a: {  	[sflag:s30] =	ssyncadd.s32 $0xFFFFF800  }
0x5b: {  	_ =	swait.ge [sflag:s29], $0x1000  }
0x5c: {  	[sflag:s29] =	ssyncset.done $0x0  }
0x5d: {  	[sflag:s29] =	ssyncadd.s32 $0xFFFFF000  }
0x5e: {  	_ =	swait.ge [sflag:s30], $0x800  }
0x5f: {  	[sflag:s30] =	ssyncset.done $0x0  }
0x60: {  	[sflag:s30] =	ssyncadd.s32 $0xFFFFF800  }
0x61: {  	_ =	swait.ge [sflag:s29], $0x1000  }
0x62: {  	[sflag:s29] =	ssyncset.done $0x0  }
0x63: {  	[sflag:s29] =	ssyncadd.s32 $0xFFFFF000  }
0x64: {  	_ =	swait.ge [sflag:s30], $0x800  }
0x65: {  	[sflag:s30] =	ssyncset.done $0x0  }
0x66: {  	[sflag:s30] =	ssyncadd.s32 $0xFFFFF800  }
0x67: {  	_ =	swait.ge [sflag:s29], $0x1000  }
0x68: {  	[sflag:s29] =	ssyncset.done $0x0  }
0x69: {  	[sflag:s29] =	ssyncadd.s32 $0xFFFFF000  }
0x6a: {  	_ =	swait.ge [sflag:s30], $0x800  }
0x6b: {  	[sflag:s30] =	ssyncset.done $0x0  }
0x6c: {  	[sflag:s30] =	ssyncadd.s32 $0xFFFFF800  }
0x6d: {  	_ =	swait.ge [sflag:s29], $0x1000  }
0x6e: {  	[sflag:s29] =	ssyncset.done $0x0  }
0x6f: {  	[sflag:s29] =	ssyncadd.s32 $0xFFFFF000  }
0x70: {  	_ =	swait.ge [sflag:s30], $0x800  }
0x71: {  	[sflag:s30] =	ssyncset.done $0x0  }
0x72: {  	[sflag:s30] =	ssyncadd.s32 $0xFFFFF800  }
0x73: {  	_ =	swait.ge [sflag:s29], $0x1000  }
0x74: {  	[sflag:s29] =	ssyncset.done $0x0  }
0x75: {  	[sflag:s29] =	ssyncadd.s32 $0xFFFFF000  }
0x76: {  	_ =	swait.ge [sflag:s30], $0x800  }
0x77: {  	[sflag:s30] =	ssyncset.done $0x0  }
0x78: {  	[sflag:s30] =	ssyncadd.s32 $0xFFFFF800  }
0x79: {  	_ =	swait.ge [sflag:s29], $0x1000  }
0x7a: {  	[sflag:s29] =	ssyncset.done $0x0  }
0x7b: {  	[sflag:s29] =	ssyncadd.s32 $0xFFFFF000  }
0x7c: {  	_ =	swait.ge [sflag:s30], $0x800  }
0x7d: {  	[sflag:s30] =	ssyncset.done $0x0  }
0x7e: {  	[sflag:s30] =	ssyncadd.s32 $0xFFFFF800  }
0x7f: {  	_ =	swait.ge [sflag:s29], $0x1000  }
0x80: {  	[sflag:s29] =	ssyncset.done $0x0  }
0x81: {  	[sflag:s29] =	ssyncadd.s32 $0xFFFFF000  }
0x82: {  	_ =	swait.ge [sflag:s30], $0x800  }
0x83: {  	[sflag:s30] =	ssyncset.done $0x0  }
0x84: {  	[sflag:s30] =	ssyncadd.s32 $0xFFFFF800  }
0x85: {  	[hbm4b:s6+s2] =	stream.linear.scatter [tilespmem:s12], [sflag:$0x3], $0xA000, $0x38;
	[tilespmem:$0xF500] =	vst v63  }
0x86: {  	_ =	swait.ge [sflag:s10], $0xA000  }
0x87: {  	s9 =	rddreg [dreg:$0xf]  }
0x88: {  	p0 =	sne.s32 s9, $0x1  }
.Ltmp0:
0x89: {  	[sflag:s10] =	ssyncset.done $0x0;
	(pc) =	sbr.rel @!p0 .LBB2_3-.Ltmp0, $4  }
0x8a: {  	s7 =	rddreg [dreg:$0x11];
	[sflag:s10] =	ssyncadd.s32 $0xFFFF6000  }
0x8b: {  	[hbm4b:s7+s2] =	stream.linear.scatter [tilespmem:s13], [sflag:$0x3], $0x5000, $0x38;
	[tilespmem:$0xF500] =	vst v63  }
0x8c: {  	s0 =	sadd.s32 $0xA0, s5;
	_ =	swait.ge [sflag:s10], $0x5000  }
0x8d: {  	s8 =	smov.u32 s6;
	s1 =	sadd.s32 $0xFFFFFFFF, s9;
	[sflag:s10] =	ssyncset.done $0x0  }
.LBB2_2:
0x8e: {  	[sflag:s10] =	ssyncadd.s32 $0xFFFFB000  }
0x8f: {  	[tilespmem:s2], [sflag:$0x3] =	stream.linear.gather [hbm4b:s0+s2], $0x500, $0x38;
	[tilespmem:$0xF500] =	vst v63  }
0x90: {  	_ =	swait.ge [sflag:s10], $0x500  }
0x91: {  	[sflag:s10] =	ssyncset.done $0x0  }
0x92: {  	[sflag:s10] =	ssyncadd.s32 $0xFFFFFB00  }
0x93: {  	[tilespmem:s12], [sflag:$0x1] =	stream.indirect.gather [hbm4b:s3+s11], $0x20, s2, s11, $0xb8;
	[tilespmem:$0xF500] =	vst v63  }
0x94: {  	_ = 	snop  }
0x95: {  	[tilespmem:s13], [sflag:$0x2] =	stream.indirect.gather [hbm4b:s4+s11], $0x10, s2, s11, $0xb8;
	[tilespmem:$0xF500] =	vst v63  }
0x96: {  	s5 =	rddreg [dreg:$0x3]  }
0x97: {  	[tilespmem:s5], [sflag:$0x1] =	stream.indirect.gather [hbm4b:s3+s11], $0x20, s11, s11, $0xb8;
	[tilespmem:$0xF500] =	vst v63  }
0x98: {  	s9 =	rddreg [dreg:$0x4]  }
0x99: {  	[tilespmem:s9], [sflag:$0x2] =	stream.indirect.gather [hbm4b:s4+s11], $0x10, s11, s11, $0xb8;
	[tilespmem:$0xF500] =	vst v63  }
0x9a: {  	s5 =	rddreg [dreg:$0x5]  }
0x9b: {  	[tilespmem:s5], [sflag:$0x1] =	stream.indirect.gather [hbm4b:s3+s11], $0x20, s14, s11, $0xb8;
	[tilespmem:$0xF500] =	vst v63  }
0x9c: {  	s9 =	rddreg [dreg:$0x6]  }
0x9d: {  	[tilespmem:s9], [sflag:$0x2] =	stream.indirect.gather [hbm4b:s4+s11], $0x10, s14, s11, $0xb8;
	[tilespmem:$0xF500] =	vst v63  }
0x9e: {  	s5 =	rddreg [dreg:$0x7]  }
0x9f: {  	[tilespmem:s5], [sflag:$0x1] =	stream.indirect.gather [hbm4b:s3+s11], $0x20, s15, s11, $0xb8;
	[tilespmem:$0xF500] =	vst v63  }
0xa0: {  	s9 =	rddreg [dreg:$0x8]  }
0xa1: {  	[tilespmem:s9], [sflag:$0x2] =	stream.indirect.gather [hbm4b:s4+s11], $0x10, s15, s11, $0xb8;
	[tilespmem:$0xF500] =	vst v63  }
0xa2: {  	s5 =	rddreg [dreg:$0x9]  }
0xa3: {  	[tilespmem:s5], [sflag:$0x1] =	stream.indirect.gather [hbm4b:s3+s11], $0x20, s16, s11, $0xb8;
	[tilespmem:$0xF500] =	vst v63  }
0xa4: {  	s9 =	rddreg [dreg:$0xa]  }
0xa5: {  	[tilespmem:s9], [sflag:$0x2] =	stream.indirect.gather [hbm4b:s4+s11], $0x10, s16, s11, $0xb8;
	[tilespmem:$0xF500] =	vst v63  }
0xa6: {  	s5 =	rddreg [dreg:$0xb]  }
0xa7: {  	[tilespmem:s5], [sflag:$0x1] =	stream.indirect.gather [hbm4b:s3+s11], $0x20, s17, s11, $0xb8;
	[tilespmem:$0xF500] =	vst v63  }
0xa8: {  	s9 =	rddreg [dreg:$0xc]  }
0xa9: {  	[tilespmem:s9], [sflag:$0x2] =	stream.indirect.gather [hbm4b:s4+s11], $0x10, s17, s11, $0xb8;
	[tilespmem:$0xF500] =	vst v63  }
0xaa: {  	s5 =	rddreg [dreg:$0xd]  }
0xab: {  	[tilespmem:s5], [sflag:$0x1] =	stream.indirect.gather [hbm4b:s3+s11], $0x20, s18, s11, $0xb8;
	[tilespmem:$0xF500] =	vst v63  }
0xac: {  	s9 =	rddreg [dreg:$0xe]  }
0xad: {  	[tilespmem:s9], [sflag:$0x2] =	stream.indirect.gather [hbm4b:s4+s11], $0x10, s18, s11, $0xb8;
	[tilespmem:$0xF500] =	vst v63  }
0xae: {  	_ = 	snop  }
0xaf: {  	[tilespmem:s20], [sflag:$0x1] =	stream.indirect.gather [hbm4b:s3+s11], $0x20, s19, s11, $0xb8;
	[tilespmem:$0xF500] =	vst v63  }
0xb0: {  	_ = 	snop  }
0xb1: {  	[tilespmem:s21], [sflag:$0x2] =	stream.indirect.gather [hbm4b:s4+s11], $0x10, s19, s11, $0xb8;
	[tilespmem:$0xF500] =	vst v63  }
0xb2: {  	_ = 	snop  }
0xb3: {  	[tilespmem:s23], [sflag:$0x1] =	stream.indirect.gather [hbm4b:s3+s11], $0x20, s22, s11, $0xb8;
	[tilespmem:$0xF500] =	vst v63  }
0xb4: {  	_ = 	snop  }
0xb5: {  	[tilespmem:s24], [sflag:$0x2] =	stream.indirect.gather [hbm4b:s4+s11], $0x10, s22, s11, $0xb8;
	[tilespmem:$0xF500] =	vst v63  }
0xb6: {  	_ = 	snop  }
0xb7: {  	[tilespmem:s26], [sflag:$0x1] =	stream.indirect.gather [hbm4b:s3+s11], $0x20, s25, s11, $0xb8;
	[tilespmem:$0xF500] =	vst v63  }
0xb8: {  	_ = 	snop  }
0xb9: {  	[tilespmem:s28], [sflag:$0x2] =	stream.indirect.gather [hbm4b:s4+s11], $0x10, s25, s11, $0xb8;
	[tilespmem:$0xF500] =	vst v63  }
0xba: {  	_ =	swait.ge [sflag:s29], $0x1000  }
0xbb: {  	[sflag:s29] =	ssyncset.done $0x0  }
0xbc: {  	[sflag:s29] =	ssyncadd.s32 $0xFFFFF000  }
0xbd: {  	_ =	swait.ge [sflag:s30], $0x800  }
0xbe: {  	[sflag:s30] =	ssyncset.done $0x0  }
0xbf: {  	[sflag:s30] =	ssyncadd.s32 $0xFFFFF800  }
0xc0: {  	_ =	swait.ge [sflag:s29], $0x1000  }
0xc1: {  	[sflag:s29] =	ssyncset.done $0x0  }
0xc2: {  	[sflag:s29] =	ssyncadd.s32 $0xFFFFF000  }
0xc3: {  	_ =	swait.ge [sflag:s30], $0x800  }
0xc4: {  	[sflag:s30] =	ssyncset.done $0x0  }
0xc5: {  	[sflag:s30] =	ssyncadd.s32 $0xFFFFF800  }
0xc6: {  	_ =	swait.ge [sflag:s29], $0x1000  }
0xc7: {  	[sflag:s29] =	ssyncset.done $0x0  }
0xc8: {  	[sflag:s29] =	ssyncadd.s32 $0xFFFFF000  }
0xc9: {  	_ =	swait.ge [sflag:s30], $0x800  }
0xca: {  	[sflag:s30] =	ssyncset.done $0x0  }
0xcb: {  	[sflag:s30] =	ssyncadd.s32 $0xFFFFF800  }
0xcc: {  	_ =	swait.ge [sflag:s29], $0x1000  }
0xcd: {  	[sflag:s29] =	ssyncset.done $0x0  }
0xce: {  	[sflag:s29] =	ssyncadd.s32 $0xFFFFF000  }
0xcf: {  	_ =	swait.ge [sflag:s30], $0x800  }
0xd0: {  	[sflag:s30] =	ssyncset.done $0x0  }
0xd1: {  	[sflag:s30] =	ssyncadd.s32 $0xFFFFF800  }
0xd2: {  	_ =	swait.ge [sflag:s29], $0x1000  }
0xd3: {  	[sflag:s29] =	ssyncset.done $0x0  }
0xd4: {  	[sflag:s29] =	ssyncadd.s32 $0xFFFFF000  }
0xd5: {  	_ =	swait.ge [sflag:s30], $0x800  }
0xd6: {  	[sflag:s30] =	ssyncset.done $0x0  }
0xd7: {  	[sflag:s30] =	ssyncadd.s32 $0xFFFFF800  }
0xd8: {  	_ =	swait.ge [sflag:s29], $0x1000  }
0xd9: {  	[sflag:s29] =	ssyncset.done $0x0  }
0xda: {  	[sflag:s29] =	ssyncadd.s32 $0xFFFFF000  }
0xdb: {  	_ =	swait.ge [sflag:s30], $0x800  }
0xdc: {  	[sflag:s30] =	ssyncset.done $0x0  }
0xdd: {  	[sflag:s30] =	ssyncadd.s32 $0xFFFFF800  }
0xde: {  	_ =	swait.ge [sflag:s29], $0x1000  }
0xdf: {  	[sflag:s29] =	ssyncset.done $0x0  }
0xe0: {  	[sflag:s29] =	ssyncadd.s32 $0xFFFFF000  }
0xe1: {  	_ =	swait.ge [sflag:s30], $0x800  }
0xe2: {  	[sflag:s30] =	ssyncset.done $0x0  }
0xe3: {  	[sflag:s30] =	ssyncadd.s32 $0xFFFFF800  }
0xe4: {  	_ =	swait.ge [sflag:s29], $0x1000  }
0xe5: {  	[sflag:s29] =	ssyncset.done $0x0  }
0xe6: {  	[sflag:s29] =	ssyncadd.s32 $0xFFFFF000  }
0xe7: {  	_ =	swait.ge [sflag:s30], $0x800  }
0xe8: {  	[sflag:s30] =	ssyncset.done $0x0  }
0xe9: {  	[sflag:s30] =	ssyncadd.s32 $0xFFFFF800  }
0xea: {  	_ =	swait.ge [sflag:s29], $0x1000  }
0xeb: {  	[sflag:s29] =	ssyncset.done $0x0  }
0xec: {  	[sflag:s29] =	ssyncadd.s32 $0xFFFFF000  }
0xed: {  	_ =	swait.ge [sflag:s30], $0x800  }
0xee: {  	[sflag:s30] =	ssyncset.done $0x0  }
0xef: {  	[sflag:s30] =	ssyncadd.s32 $0xFFFFF800  }
0xf0: {  	_ =	swait.ge [sflag:s29], $0x1000  }
0xf1: {  	[sflag:s29] =	ssyncset.done $0x0  }
0xf2: {  	[sflag:s29] =	ssyncadd.s32 $0xFFFFF000  }
0xf3: {  	_ =	swait.ge [sflag:s30], $0x800  }
0xf4: {  	[sflag:s30] =	ssyncset.done $0x0  }
0xf5: {  	s8 =	sadd.s32 $0x1400, s8;
	[sflag:s30] =	ssyncadd.s32 $0xFFFFF800  }
0xf6: {  	[hbm4b:s8+s2] =	stream.linear.scatter [tilespmem:s12], [sflag:$0x3], $0xA000, $0x38;
	[tilespmem:$0xF500] =	vst v63  }
0xf7: {  	p0 =	sne.s32 s1, $0x1;
	_ =	swait.ge [sflag:s10], $0xA000  }
.Ltmp1:
0xf8: {  	[sflag:s10] =	ssyncset.done $0x0;
	(pc) =	sbr.rel @p0 .LBB2_2-.Ltmp1, $4  }
0xf9: {  	s7 =	sadd.s32 $0xA00, s7;
	[sflag:s10] =	ssyncadd.s32 $0xFFFF6000  }
0xfa: {  	[hbm4b:s7+s2] =	stream.linear.scatter [tilespmem:s13], [sflag:$0x3], $0x5000, $0x38;
	[tilespmem:$0xF500] =	vst v63  }
0xfb: {  	_ =	swait.ge [sflag:s10], $0x5000  }
0xfc: {  	s1 =	sadd.s32 $0xFFFFFFFF, s1;
	s0 =	sadd.s32 $0xA0, s0;
	[sflag:s10] =	ssyncset.done $0x0  }
.LBB2_3:
0xfd: {  	s31 =	sadd.s32 $0x1, s31;
	s0 =	rddreg [dreg:$0x10]  }
0xfe: {  	p0 =	sne.s32 s31, s0  }
.Ltmp2:
0xff: {  	_ = 	snop;
	(pc) =	sbr.rel @p0 .LBB2_1-.Ltmp2, $2  }
0x100: {  	_ =	sdelay $0x2  }
0x101: {  	[sflag:s10] =	ssyncadd.s32 $0xFFFFB000  }
0x102: {  	_ =	sfence.sel $0x180000  }
0x103: {  	[bflag:$0x0] =	sbarrier.arrive $0xFFFF  }
0x104: {  	_ =	strace $0x90000047  }
0x105: {  	s0 =	stileid.u32;
	[bflag:$0x2] =	sbarrier.arrive $0xFFFF  }
0x106: {  	p0 =	sne.s32 s0, $0x0;
	s0 =	rddreg [dreg:$0x2]  }
0x107: {  	s0 =	sadd.s32 @!p0 $0x100000, s0  }
0x108: {  	[sflag:s0] =	ssyncadd.tile.s32 @!p0 $0x1;
	_ =	shalt  }
.Lfunc_end2:
_tile_overlayer_lowered:
.L_overlay_start_2:
0x109: {  	(tag) =	ssettag $0x2  }
0x10a: {  	s0 =	rddreg [dreg:$0x0];
	s2 =	stileid.u32  }
0x10b: {  	s1 =	rddreg [dreg:$0x1];
	p0 =	sne.s32 s2, $0x0  }
0x10c: {  	s3 =	rddreg [dreg:$0x2];
	[bflag:$0x3] =	sbarrier.arrive $0xFFFF;
	s2 =	simm.s32 @!p0 $0x1C03  }
0x10d: {  	[timem:s3], [sflag:s2] =	dma.local @!p0 [hbm:s0], s1  }
0x10e: {  	s0 =	simm.s32 @!p0 $0x3  }
0x10f: {  	_ =	swait.ge @!p0 [sflag:s0], s1  }
0x110: {  	s1 =	ssub.s32 @!p0 $0x0, s1;
	[sflag:s0] =	ssyncset.done @!p0 $0x0  }
0x111: {  	[sflag:s0] =	ssyncadd.s32 @!p0 s1  }
0x112: {  	[bflag:$0x3] =	sbarrier.arrive $0xFFFF  }
0x113: {  	_ =	shalt  }

</sc_bundles>
